<compile_context>
chip_gen: v7x
topology: tpu7x:2x2x1
jax: 0.10.2.dev20260603
libtpu: 0.0.44.dev20260713+nightly
codegen_flags: <defaults>
</compile_context>

<pallas_src>
import functools

import jax
import jax.numpy as jnp
from jax import lax
from jax.experimental import pallas as pl
from jax.experimental.pallas import tpu as pltpu
from jax.experimental.pallas import tpu_sc as plsc

B = 16384
F = 26
V = 100000
D = 16
ND = 13
EPS = 1e-3

NC = 2
NS = 16
NW = NC * NS
RPW = B // NW
C = 128
CHUNKS = RPW // C
VL = 16
def _bi_interact_sc(table, idxT):
    mesh = plsc.VectorSubcoreMesh(core_axis_name="c", subcore_axis_name="s")

    @functools.partial(
        pl.kernel,
        mesh=mesh,
        compiler_params=pltpu.CompilerParams(use_tc_tiling_on_sc=False),
        out_type=jax.ShapeDtypeStruct((B, D), jnp.float32),
        scratch_types=[
            pltpu.VMEM((F, RPW), jnp.int32),
            pltpu.VMEM((F * C, D), jnp.float32),
            pltpu.VMEM((C, D), jnp.float32),
            pltpu.SemaphoreType.DMA,
        ],
    )
    def sc_kernel(table_hbm, idx_hbm, out_hbm, idx_v, rows_v, out_v, sem):
        w = lax.axis_index("s") * NC + lax.axis_index("c")
        pltpu.sync_copy(idx_hbm.at[:, pl.ds(w * RPW, RPW)], idx_v)

        @pl.loop(0, CHUNKS)
        def _chunk(kk):
            cps = [
                pltpu.async_copy(
                    table_hbm.at[f].at[idx_v.at[f, pl.ds(kk * C, C)]],
                    rows_v.at[pl.ds(f * C, C), :],
                    sem,
                )
                for f in range(F)
            ]
            for cp in cps:
                cp.wait()

            @pl.loop(0, C)
            def _row(r):
                v = rows_v[r, :]
                acc = v
                asq = v * v
                for f in range(1, F):
                    v = rows_v[f * C + r, :]
                    acc = acc + v
                    asq = asq + v * v
                out_v[r, :] = (acc * acc - asq) * 0.5

            pltpu.sync_copy(out_v, out_hbm.at[pl.ds(w * RPW + kk * C, C), :])

    return sc_kernel(table, idxT)


RS = 2048
NBS = B // RS


def _stats_body(d_ref, c_ref, gd_ref, bd_ref, gc_ref, bc_ref,
                ad_ref, bd2_ref, ac_ref, bc2_ref):
    def accum(i, carry):
        sd, qd, sc_, qc = carry
        dch = d_ref[pl.ds(i * RS, RS), :]
        cch = c_ref[pl.ds(i * RS, RS), :]
        return (
            sd + jnp.sum(dch, axis=0, keepdims=True),
            qd + jnp.sum(dch * dch, axis=0, keepdims=True),
            sc_ + jnp.sum(cch, axis=0, keepdims=True),
            qc + jnp.sum(cch * cch, axis=0, keepdims=True),
        )

    z_d = jnp.zeros((1, ND), jnp.float32)
    z_c = jnp.zeros((1, D), jnp.float32)
    sd, qd, sc_, qc = lax.fori_loop(0, NBS, accum, (z_d, z_d, z_c, z_c))
    md = sd / B
    vd = qd / B - md * md
    ad = gd_ref[...] * lax.rsqrt(vd + EPS)
    bd2 = bd_ref[...] - md * ad
    mc = sc_ / B
    vc = qc / B - mc * mc
    ac = gc_ref[...] * lax.rsqrt(vc + EPS)
    bc2 = bc_ref[...] - mc * ac
    ad_ref[...] = ad
    bd2_ref[...] = bd2
    ac_ref[...] = ac
    bc2_ref[...] = bc2


def _stats_tc(dense, cross, gd, bd, gc, bc):
    out_types = (
        jax.ShapeDtypeStruct((1, ND), jnp.float32),
        jax.ShapeDtypeStruct((1, ND), jnp.float32),
        jax.ShapeDtypeStruct((1, D), jnp.float32),
        jax.ShapeDtypeStruct((1, D), jnp.float32),
    )
    return pl.pallas_call(
        _stats_body,
        out_shape=out_types,
    )(dense, cross, gd, bd, gc, bc)


RM = 1024
NBM = B // RM


def _mlp_body(d_ref, c_ref, ad_ref, bd_ref, ac_ref, bc_ref,
              w1d_ref, w1c_ref, b1_ref, w2_ref, b2_ref, w3_ref, b3_ref,
              w4_ref, b4_ref, o_ref):
    hp = lax.Precision.HIGHEST
    xd = d_ref[...] * ad_ref[...] + bd_ref[...]
    xc = c_ref[...] * ac_ref[...] + bc_ref[...]
    h = jnp.dot(xd, w1d_ref[...], precision=hp) \
        + jnp.dot(xc, w1c_ref[...], precision=hp) + b1_ref[...]
    h = jnp.maximum(h, 0.0)
    h = jnp.maximum(jnp.dot(h, w2_ref[...], precision=hp) + b2_ref[...], 0.0)
    h = jnp.maximum(jnp.dot(h, w3_ref[...], precision=hp) + b3_ref[...], 0.0)
    o_ref[...] = jax.nn.sigmoid(jnp.dot(h, w4_ref[...], precision=hp)
                                + b4_ref[...])


def _mlp_tc(dense, cross, ad, bd2, ac, bc2, w1d, w1c, b1, w2, b2, w3, b3,
            w4, b4):
    full = lambda shape: pl.BlockSpec(shape, lambda i: (0, 0))
    return pl.pallas_call(
        _mlp_body,
        grid=(NBM,),
        in_specs=[
            pl.BlockSpec((RM, ND), lambda i: (i, 0)),
            pl.BlockSpec((RM, D), lambda i: (i, 0)),
            full((1, ND)), full((1, ND)), full((1, D)), full((1, D)),
            full((ND, 256)), full((D, 256)), full((1, 256)),
            full((256, 128)), full((1, 128)),
            full((128, 64)), full((1, 64)),
            full((64, 1)), full((1, 1)),
        ],
        out_specs=pl.BlockSpec((RM, 1), lambda i: (i, 0)),
        out_shape=jax.ShapeDtypeStruct((B, 1), jnp.float32),
    )(dense, cross, ad, bd2, ac, bc2, w1d, w1c, b1, w2, b2, w3, b3, w4, b4)


def kernel(dense_inputs, sparse_inputs, emb, gamma, beta,
           W1, b1, W2, b2, W3, b3, W4, b4):
    idxT = jnp.swapaxes(sparse_inputs, 0, 1)
    cross = _bi_interact_sc(emb, idxT)

    gd = gamma[:ND].reshape(1, ND)
    gc = gamma[ND:].reshape(1, D)
    bd = beta[:ND].reshape(1, ND)
    bc = beta[ND:].reshape(1, D)
    ad, bd2, ac, bc2 = _stats_tc(dense_inputs, cross, gd, bd, gc, bc)

    return _mlp_tc(
        dense_inputs, cross, ad, bd2, ac, bc2,
        W1[:ND], W1[ND:], b1.reshape(1, 256),
        W2, b2.reshape(1, 128), W3, b3.reshape(1, 64),
        W4, b4.reshape(1, 1),
    )

# --- scband reference (transcript-rebuilt; emitter-appended) ---
"""Pipeline reference for scband-nfm-16758962389726 (READ-ONLY COPY).

The authoritative reference and input builder live on the scoring server;
editing this copy changes nothing except your own understanding.
"""

import jax, jax.numpy as jnp
import numpy as np

B = 16384
F = 26
V = 100000
D = 16
ND = 13
EPS = 1e-3

def setup_inputs(seed: int = 0) -> dict:
    key = jax.random.key(seed)
    ks = jax.random.split(key, 12)
    dense_inputs = jax.random.normal(ks[0], (B, ND), dtype=jnp.float32)
    sparse_inputs = jax.random.randint(ks[1], (B, F), 0, V, dtype=jnp.int32)
    emb = jax.random.uniform(ks[2], (F, V, D), dtype=jnp.float32, minval=-0.05, maxval=0.05)
    cat_dim = ND + D
    gamma = jnp.ones((cat_dim,), dtype=jnp.float32)
    beta = jnp.zeros((cat_dim,), dtype=jnp.float32)
    W1 = jax.random.normal(ks[3], (cat_dim, 256), dtype=jnp.float32) * 0.05
    b1 = jnp.zeros((256,), dtype=jnp.float32)
    W2 = jax.random.normal(ks[4], (256, 128), dtype=jnp.float32) * 0.05
    b2 = jnp.zeros((128,), dtype=jnp.float32)
    W3 = jax.random.normal(ks[5], (128, 64), dtype=jnp.float32) * 0.05
    b3 = jnp.zeros((64,), dtype=jnp.float32)
    W4 = jax.random.normal(ks[6], (64, 1), dtype=jnp.float32) * 0.05
    b4 = jnp.zeros((1,), dtype=jnp.float32)
    return {"dense_inputs": dense_inputs, "sparse_inputs": sparse_inputs, "emb": emb,
            "gamma": gamma, "beta": beta, "W1": W1, "b1": b1, "W2": W2, "b2": b2,
            "W3": W3, "b3": b3, "W4": W4, "b4": b4}

def reference(dense_inputs, sparse_inputs, emb, gamma, beta, W1, b1, W2, b2, W3, b3, W4, b4):
    # Embedding lookup: per-field gather -> [B, F, D]
    flat_table = emb.reshape(F * V, D)
    offsets = (jnp.arange(F, dtype=sparse_inputs.dtype) * V)[None, :]
    flat_idx = sparse_inputs + offsets
    embed = jnp.take(flat_table, flat_idx, axis=0)  # [B, F, D]
    # Bi-interaction pooling
    square_of_sum = jnp.square(jnp.sum(embed, axis=1))
    sum_of_square = jnp.sum(embed * embed, axis=1)
    cross_term = 0.5 * (square_of_sum - sum_of_square)  # [B, D]
    # Concat dense features
    x = jnp.concatenate([dense_inputs, cross_term], axis=-1)  # [B, ND+D]
    # BatchNormalization (training=True semantics: batch statistics)
    mean = jnp.mean(x, axis=0)
    var = jnp.var(x, axis=0)
    x = gamma * (x - mean) / jnp.sqrt(var + EPS) + beta
    # DNN
    x = jax.nn.relu(x @ W1 + b1)
    x = jax.nn.relu(x @ W2 + b2)
    x = jax.nn.relu(x @ W3 + b3)
    # Final dense + sigmoid
    out = jax.nn.sigmoid(x @ W4 + b4)
    return out

if __name__ == "__main__":
    import jax
    _d = setup_inputs()
    print(jax.jit(kernel)(*tuple(_d.values())))

</pallas_src>

<mosaic_0001>
#map = affine_map<(d0, d1) -> (0, 0, 0)>
#map1 = affine_map<(d0, d1) -> (0, 0)>
module attributes {stable_mosaic.version = 14 : i64} {
  func.func @sc_kernel(%arg0: i32, %arg1: i32, %arg2: memref<26x100000x16xf32, #tpu.memory_space<hbm>>, %arg3: memref<26x16384xi32, #tpu.memory_space<hbm>>, %arg4: memref<16384x16xf32, #tpu.memory_space<hbm>>, %arg5: memref<26x512xi32, #tpu.memory_space<vmem>>, %arg6: memref<3328x16xf32, #tpu.memory_space<vmem>>, %arg7: memref<128x16xf32, #tpu.memory_space<vmem>>, %arg8: memref<!tpu.dma_semaphore, #tpu.memory_space<semaphore_mem>>) attributes {dimension_semantics = [#tpu.dimension_semantics<core_parallel>, #tpu.dimension_semantics<subcore_parallel>], iteration_bounds = array<i64: 2, 16>, scalar_prefetch = 0 : i64, scratch_operands = 4 : i64, tpu.core_type = #tpu.core_type<sc_vector_subcore>, window_params = [{transform_indices = #map}, {transform_indices = #map1}, {transform_indices = #map1}]} {
    %mul3A = arith.constant 2 : i32
    %mul3A_0 = arith.muli %arg1, %mul3A : i32
    %add3A = arith.addi %mul3A_0, %arg0 : i32
    %mul3A_1 = arith.constant 512 : i32
    %mul3A_2 = arith.muli %add3A, %mul3A_1 : i32
    "tpu.region"() ({
      %run_scoped3A = tpu.sem_alloc : memref<!tpu.dma_semaphore, #tpu.memory_space<semaphore_mem>>
      %dma_start3A = arith.constant 0 : i32
      %dma_start3A_7 = tpu.memref_slice %arg3[%dma_start3A, %mul3A_2] : memref<26x16384xi32, #tpu.memory_space<hbm>> -> memref<26x512xi32, #tpu.memory_space<hbm>>
      %dma_start3A_8 = arith.constant 0 : i32
      %dma_start3A_9 = tpu.memref_slice %arg3[%dma_start3A_8, %mul3A_2] : memref<26x16384xi32, #tpu.memory_space<hbm>> -> memref<26x512xi32, #tpu.memory_space<hbm>>
      tpu.enqueue_dma source(%dma_start3A_9 : memref<26x512xi32, #tpu.memory_space<hbm>>) target(%arg5 : memref<26x512xi32, #tpu.memory_space<vmem>>) target_semaphore(%run_scoped3A : memref<!tpu.dma_semaphore, #tpu.memory_space<semaphore_mem>>)
      %dma_wait3A = arith.constant 0 : i32
      %dma_wait3A_10 = tpu.memref_slice %arg3[%dma_wait3A, %mul3A_2] : memref<26x16384xi32, #tpu.memory_space<hbm>> -> memref<26x512xi32, #tpu.memory_space<hbm>>
      %dma_wait3A_11 = arith.constant 0 : i32
      %dma_wait3A_12 = tpu.memref_slice %arg3[%dma_wait3A_11, %mul3A_2] : memref<26x16384xi32, #tpu.memory_space<hbm>> -> memref<26x512xi32, #tpu.memory_space<hbm>>
      tpu.wait_dma2 semaphore(%run_scoped3A : memref<!tpu.dma_semaphore, #tpu.memory_space<semaphore_mem>>) src(%dma_wait3A_12 : memref<26x512xi32, #tpu.memory_space<hbm>>) dst(%arg5 : memref<26x512xi32, #tpu.memory_space<vmem>>)
      tpu.yield
    }) : () -> ()
    %scan3A = arith.constant 0 : i32
    %scan3A_3 = arith.constant 4 : i32
    %scan3A_4 = arith.addi %scan3A, %scan3A_3 : i32
    %scan3A_5 = arith.constant 1 : i32
    scf.for %scan3A_7 = %scan3A to %scan3A_4 step %scan3A_5  : i32 {
      %mul3A_8 = arith.constant 1 : i32
      %mul3A_9 = arith.muli %scan3A_7, %mul3A_8 : i32
      %add3A_10 = arith.constant 0 : i32
      %add3A_11 = arith.addi %add3A_10, %mul3A_9 : i32
      %mul3A_12 = arith.constant 128 : i32
      %mul3A_13 = arith.muli %add3A_11, %mul3A_12 : i32
      %dma_start3A = arith.constant 0 : i32
      %dma_start3A_14 = arith.constant 0 : i32
      %dma_start3A_15 = arith.constant 0 : i32
      %dma_start3A_16 = arith.constant 0 : i32
      %dma_start3A_17 = tpu.memref_slice %arg6[%dma_start3A_15, %dma_start3A_16] : memref<3328x16xf32, #tpu.memory_space<vmem>> -> memref<128x16xf32, #tpu.memory_space<vmem>>
      %dma_start3A_18 = tpu.memref_slice %arg5[%dma_start3A_14, %mul3A_13] : memref<26x512xi32, #tpu.memory_space<vmem>> -> memref<1x128xi32, #tpu.memory_space<vmem>>
      %dma_start3A_19 = tpu.memref_squeeze %dma_start3A_18 : memref<1x128xi32, #tpu.memory_space<vmem>> -> memref<128xi32, #tpu.memory_space<vmem>>
      %dma_start3A_20 = arith.constant 0 : i32
      %dma_start3A_21 = arith.constant 0 : i32
      %dma_start3A_22 = tpu.memref_slice %arg2[%dma_start3A, %dma_start3A_20, %dma_start3A_21] : memref<26x100000x16xf32, #tpu.memory_space<hbm>> -> memref<1x100000x16xf32, #tpu.memory_space<hbm>>
      %dma_start3A_23 = tpu.memref_squeeze %dma_start3A_22 : memref<1x100000x16xf32, #tpu.memory_space<hbm>> -> memref<100000x16xf32, #tpu.memory_space<hbm>>
      %dma_start3A_24 = arith.constant 0 : i32
      %dma_start3A_25 = arith.constant 0 : i32
      %dma_start3A_26 = tpu.memref_slice %dma_start3A_23[%dma_start3A_24, %dma_start3A_25] : memref<100000x16xf32, #tpu.memory_space<hbm>> -> memref<100000x16xf32, #tpu.memory_space<hbm>>
      tpu.enqueue_indirect_dma source(%dma_start3A_26 : memref<100000x16xf32, #tpu.memory_space<hbm>>) target(%dma_start3A_17 : memref<128x16xf32, #tpu.memory_space<vmem>>) offsets(%dma_start3A_19 : memref<128xi32, #tpu.memory_space<vmem>>) semaphore(%arg8 : memref<!tpu.dma_semaphore, #tpu.memory_space<semaphore_mem>>)
      %mul3A_27 = arith.constant 128 : i32
      %mul3A_28 = arith.muli %add3A_11, %mul3A_27 : i32
      %dma_start3A_29 = arith.constant 1 : i32
      %dma_start3A_30 = arith.constant 1 : i32
      %dma_start3A_31 = arith.constant 128 : i32
      %dma_start3A_32 = arith.constant 0 : i32
      %dma_start3A_33 = tpu.memref_slice %arg6[%dma_start3A_31, %dma_start3A_32] : memref<3328x16xf32, #tpu.memory_space<vmem>> -> memref<128x16xf32, #tpu.memory_space<vmem>>
      %dma_start3A_34 = tpu.memref_slice %arg5[%dma_start3A_30, %mul3A_28] : memref<26x512xi32, #tpu.memory_space<vmem>> -> memref<1x128xi32, #tpu.memory_space<vmem>>
      %dma_start3A_35 = tpu.memref_squeeze %dma_start3A_34 : memref<1x128xi32, #tpu.memory_space<vmem>> -> memref<128xi32, #tpu.memory_space<vmem>>
      %dma_start3A_36 = arith.constant 0 : i32
      %dma_start3A_37 = arith.constant 0 : i32
      %dma_start3A_38 = tpu.memref_slice %arg2[%dma_start3A_29, %dma_start3A_36, %dma_start3A_37] : memref<26x100000x16xf32, #tpu.memory_space<hbm>> -> memref<1x100000x16xf32, #tpu.memory_space<hbm>>
      %dma_start3A_39 = tpu.memref_squeeze %dma_start3A_38 : memref<1x100000x16xf32, #tpu.memory_space<hbm>> -> memref<100000x16xf32, #tpu.memory_space<hbm>>
      %dma_start3A_40 = arith.constant 0 : i32
      %dma_start3A_41 = arith.constant 0 : i32
      %dma_start3A_42 = tpu.memref_slice %dma_start3A_39[%dma_start3A_40, %dma_start3A_41] : memref<100000x16xf32, #tpu.memory_space<hbm>> -> memref<100000x16xf32, #tpu.memory_space<hbm>>
      tpu.enqueue_indirect_dma source(%dma_start3A_42 : memref<100000x16xf32, #tpu.memory_space<hbm>>) target(%dma_start3A_33 : memref<128x16xf32, #tpu.memory_space<vmem>>) offsets(%dma_start3A_35 : memref<128xi32, #tpu.memory_space<vmem>>) semaphore(%arg8 : memref<!tpu.dma_semaphore, #tpu.memory_space<semaphore_mem>>)
      %mul3A_43 = arith.constant 128 : i32
      %mul3A_44 = arith.muli %add3A_11, %mul3A_43 : i32
      %dma_start3A_45 = arith.constant 2 : i32
      %dma_start3A_46 = arith.constant 2 : i32
      %dma_start3A_47 = arith.constant 256 : i32
      %dma_start3A_48 = arith.constant 0 : i32
      %dma_start3A_49 = tpu.memref_slice %arg6[%dma_start3A_47, %dma_start3A_48] : memref<3328x16xf32, #tpu.memory_space<vmem>> -> memref<128x16xf32, #tpu.memory_space<vmem>>
      %dma_start3A_50 = tpu.memref_slice %arg5[%dma_start3A_46, %mul3A_44] : memref<26x512xi32, #tpu.memory_space<vmem>> -> memref<1x128xi32, #tpu.memory_space<vmem>>
      %dma_start3A_51 = tpu.memref_squeeze %dma_start3A_50 : memref<1x128xi32, #tpu.memory_space<vmem>> -> memref<128xi32, #tpu.memory_space<vmem>>
      %dma_start3A_52 = arith.constant 0 : i32
      %dma_start3A_53 = arith.constant 0 : i32
      %dma_start3A_54 = tpu.memref_slice %arg2[%dma_start3A_45, %dma_start3A_52, %dma_start3A_53] : memref<26x100000x16xf32, #tpu.memory_space<hbm>> -> memref<1x100000x16xf32, #tpu.memory_space<hbm>>
      %dma_start3A_55 = tpu.memref_squeeze %dma_start3A_54 : memref<1x100000x16xf32, #tpu.memory_space<hbm>> -> memref<100000x16xf32, #tpu.memory_space<hbm>>
      %dma_start3A_56 = arith.constant 0 : i32
      %dma_start3A_57 = arith.constant 0 : i32
      %dma_start3A_58 = tpu.memref_slice %dma_start3A_55[%dma_start3A_56, %dma_start3A_57] : memref<100000x16xf32, #tpu.memory_space<hbm>> -> memref<100000x16xf32, #tpu.memory_space<hbm>>
      tpu.enqueue_indirect_dma source(%dma_start3A_58 : memref<100000x16xf32, #tpu.memory_space<hbm>>) target(%dma_start3A_49 : memref<128x16xf32, #tpu.memory_space<vmem>>) offsets(%dma_start3A_51 : memref<128xi32, #tpu.memory_space<vmem>>) semaphore(%arg8 : memref<!tpu.dma_semaphore, #tpu.memory_space<semaphore_mem>>)
      %mul3A_59 = arith.constant 128 : i32
      %mul3A_60 = arith.muli %add3A_11, %mul3A_59 : i32
      %dma_start3A_61 = arith.constant 3 : i32
      %dma_start3A_62 = arith.constant 3 : i32
      %dma_start3A_63 = arith.constant 384 : i32
      %dma_start3A_64 = arith.constant 0 : i32
      %dma_start3A_65 = tpu.memref_slice %arg6[%dma_start3A_63, %dma_start3A_64] : memref<3328x16xf32, #tpu.memory_space<vmem>> -> memref<128x16xf32, #tpu.memory_space<vmem>>
      %dma_start3A_66 = tpu.memref_slice %arg5[%dma_start3A_62, %mul3A_60] : memref<26x512xi32, #tpu.memory_space<vmem>> -> memref<1x128xi32, #tpu.memory_space<vmem>>
      %dma_start3A_67 = tpu.memref_squeeze %dma_start3A_66 : memref<1x128xi32, #tpu.memory_space<vmem>> -> memref<128xi32, #tpu.memory_space<vmem>>
      %dma_start3A_68 = arith.constant 0 : i32
      %dma_start3A_69 = arith.constant 0 : i32
      %dma_start3A_70 = tpu.memref_slice %arg2[%dma_start3A_61, %dma_start3A_68, %dma_start3A_69] : memref<26x100000x16xf32, #tpu.memory_space<hbm>> -> memref<1x100000x16xf32, #tpu.memory_space<hbm>>
      %dma_start3A_71 = tpu.memref_squeeze %dma_start3A_70 : memref<1x100000x16xf32, #tpu.memory_space<hbm>> -> memref<100000x16xf32, #tpu.memory_space<hbm>>
      %dma_start3A_72 = arith.constant 0 : i32
      %dma_start3A_73 = arith.constant 0 : i32
      %dma_start3A_74 = tpu.memref_slice %dma_start3A_71[%dma_start3A_72, %dma_start3A_73] : memref<100000x16xf32, #tpu.memory_space<hbm>> -> memref<100000x16xf32, #tpu.memory_space<hbm>>
      tpu.enqueue_indirect_dma source(%dma_start3A_74 : memref<100000x16xf32, #tpu.memory_space<hbm>>) target(%dma_start3A_65 : memref<128x16xf32, #tpu.memory_space<vmem>>) offsets(%dma_start3A_67 : memref<128xi32, #tpu.memory_space<vmem>>) semaphore(%arg8 : memref<!tpu.dma_semaphore, #tpu.memory_space<semaphore_mem>>)
      %mul3A_75 = arith.constant 128 : i32
      %mul3A_76 = arith.muli %add3A_11, %mul3A_75 : i32
      %dma_start3A_77 = arith.constant 4 : i32
      %dma_start3A_78 = arith.constant 4 : i32
      %dma_start3A_79 = arith.constant 512 : i32
      %dma_start3A_80 = arith.constant 0 : i32
      %dma_start3A_81 = tpu.memref_slice %arg6[%dma_start3A_79, %dma_start3A_80] : memref<3328x16xf32, #tpu.memory_space<vmem>> -> memref<128x16xf32, #tpu.memory_space<vmem>>
      %dma_start3A_82 = tpu.memref_slice %arg5[%dma_start3A_78, %mul3A_76] : memref<26x512xi32, #tpu.memory_space<vmem>> -> memref<1x128xi32, #tpu.memory_space<vmem>>
      %dma_start3A_83 = tpu.memref_squeeze %dma_start3A_82 : memref<1x128xi32, #tpu.memory_space<vmem>> -> memref<128xi32, #tpu.memory_space<vmem>>
      %dma_start3A_84 = arith.constant 0 : i32
      %dma_start3A_85 = arith.constant 0 : i32
      %dma_start3A_86 = tpu.memref_slice %arg2[%dma_start3A_77, %dma_start3A_84, %dma_start3A_85] : memref<26x100000x16xf32, #tpu.memory_space<hbm>> -> memref<1x100000x16xf32, #tpu.memory_space<hbm>>
      %dma_start3A_87 = tpu.memref_squeeze %dma_start3A_86 : memref<1x100000x16xf32, #tpu.memory_space<hbm>> -> memref<100000x16xf32, #tpu.memory_space<hbm>>
      %dma_start3A_88 = arith.constant 0 : i32
      %dma_start3A_89 = arith.constant 0 : i32
      %dma_start3A_90 = tpu.memref_slice %dma_start3A_87[%dma_start3A_88, %dma_start3A_89] : memref<100000x16xf32, #tpu.memory_space<hbm>> -> memref<100000x16xf32, #tpu.memory_space<hbm>>
      tpu.enqueue_indirect_dma source(%dma_start3A_90 : memref<100000x16xf32, #tpu.memory_space<hbm>>) target(%dma_start3A_81 : memref<128x16xf32, #tpu.memory_space<vmem>>) offsets(%dma_start3A_83 : memref<128xi32, #tpu.memory_space<vmem>>) semaphore(%arg8 : memref<!tpu.dma_semaphore, #tpu.memory_space<semaphore_mem>>)
      %mul3A_91 = arith.constant 128 : i32
      %mul3A_92 = arith.muli %add3A_11, %mul3A_91 : i32
      %dma_start3A_93 = arith.constant 5 : i32
      %dma_start3A_94 = arith.constant 5 : i32
      %dma_start3A_95 = arith.constant 640 : i32
      %dma_start3A_96 = arith.constant 0 : i32
      %dma_start3A_97 = tpu.memref_slice %arg6[%dma_start3A_95, %dma_start3A_96] : memref<3328x16xf32, #tpu.memory_space<vmem>> -> memref<128x16xf32, #tpu.memory_space<vmem>>
      %dma_start3A_98 = tpu.memref_slice %arg5[%dma_start3A_94, %mul3A_92] : memref<26x512xi32, #tpu.memory_space<vmem>> -> memref<1x128xi32, #tpu.memory_space<vmem>>
      %dma_start3A_99 = tpu.memref_squeeze %dma_start3A_98 : memref<1x128xi32, #tpu.memory_space<vmem>> -> memref<128xi32, #tpu.memory_space<vmem>>
      %dma_start3A_100 = arith.constant 0 : i32
      %dma_start3A_101 = arith.constant 0 : i32
      %dma_start3A_102 = tpu.memref_slice %arg2[%dma_start3A_93, %dma_start3A_100, %dma_start3A_101] : memref<26x100000x16xf32, #tpu.memory_space<hbm>> -> memref<1x100000x16xf32, #tpu.memory_space<hbm>>
      %dma_start3A_103 = tpu.memref_squeeze %dma_start3A_102 : memref<1x100000x16xf32, #tpu.memory_space<hbm>> -> memref<100000x16xf32, #tpu.memory_space<hbm>>
      %dma_start3A_104 = arith.constant 0 : i32
      %dma_start3A_105 = arith.constant 0 : i32
      %dma_start3A_106 = tpu.memref_slice %dma_start3A_103[%dma_start3A_104, %dma_start3A_105] : memref<100000x16xf32, #tpu.memory_space<hbm>> -> memref<100000x16xf32, #tpu.memory_space<hbm>>
      tpu.enqueue_indirect_dma source(%dma_start3A_106 : memref<100000x16xf32, #tpu.memory_space<hbm>>) target(%dma_start3A_97 : memref<128x16xf32, #tpu.memory_space<vmem>>) offsets(%dma_start3A_99 : memref<128xi32, #tpu.memory_space<vmem>>) semaphore(%arg8 : memref<!tpu.dma_semaphore, #tpu.memory_space<semaphore_mem>>)
      %mul3A_107 = arith.constant 128 : i32
      %mul3A_108 = arith.muli %add3A_11, %mul3A_107 : i32
      %dma_start3A_109 = arith.constant 6 : i32
      %dma_start3A_110 = arith.constant 6 : i32
      %dma_start3A_111 = arith.constant 768 : i32
      %dma_start3A_112 = arith.constant 0 : i32
      %dma_start3A_113 = tpu.memref_slice %arg6[%dma_start3A_111, %dma_start3A_112] : memref<3328x16xf32, #tpu.memory_space<vmem>> -> memref<128x16xf32, #tpu.memory_space<vmem>>
      %dma_start3A_114 = tpu.memref_slice %arg5[%dma_start3A_110, %mul3A_108] : memref<26x512xi32, #tpu.memory_space<vmem>> -> memref<1x128xi32, #tpu.memory_space<vmem>>
      %dma_start3A_115 = tpu.memref_squeeze %dma_start3A_114 : memref<1x128xi32, #tpu.memory_space<vmem>> -> memref<128xi32, #tpu.memory_space<vmem>>
      %dma_start3A_116 = arith.constant 0 : i32
      %dma_start3A_117 = arith.constant 0 : i32
      %dma_start3A_118 = tpu.memref_slice %arg2[%dma_start3A_109, %dma_start3A_116, %dma_start3A_117] : memref<26x100000x16xf32, #tpu.memory_space<hbm>> -> memref<1x100000x16xf32, #tpu.memory_space<hbm>>
      %dma_start3A_119 = tpu.memref_squeeze %dma_start3A_118 : memref<1x100000x16xf32, #tpu.memory_space<hbm>> -> memref<100000x16xf32, #tpu.memory_space<hbm>>
      %dma_start3A_120 = arith.constant 0 : i32
      %dma_start3A_121 = arith.constant 0 : i32
      %dma_start3A_122 = tpu.memref_slice %dma_start3A_119[%dma_start3A_120, %dma_start3A_121] : memref<100000x16xf32, #tpu.memory_space<hbm>> -> memref<100000x16xf32, #tpu.memory_space<hbm>>
      tpu.enqueue_indirect_dma source(%dma_start3A_122 : memref<100000x16xf32, #tpu.memory_space<hbm>>) target(%dma_start3A_113 : memref<128x16xf32, #tpu.memory_space<vmem>>) offsets(%dma_start3A_115 : memref<128xi32, #tpu.memory_space<vmem>>) semaphore(%arg8 : memref<!tpu.dma_semaphore, #tpu.memory_space<semaphore_mem>>)
      %mul3A_123 = arith.constant 128 : i32
      %mul3A_124 = arith.muli %add3A_11, %mul3A_123 : i32
      %dma_start3A_125 = arith.constant 7 : i32
      %dma_start3A_126 = arith.constant 7 : i32
      %dma_start3A_127 = arith.constant 896 : i32
      %dma_start3A_128 = arith.constant 0 : i32
      %dma_start3A_129 = tpu.memref_slice %arg6[%dma_start3A_127, %dma_start3A_128] : memref<3328x16xf32, #tpu.memory_space<vmem>> -> memref<128x16xf32, #tpu.memory_space<vmem>>
      %dma_start3A_130 = tpu.memref_slice %arg5[%dma_start3A_126, %mul3A_124] : memref<26x512xi32, #tpu.memory_space<vmem>> -> memref<1x128xi32, #tpu.memory_space<vmem>>
      %dma_start3A_131 = tpu.memref_squeeze %dma_start3A_130 : memref<1x128xi32, #tpu.memory_space<vmem>> -> memref<128xi32, #tpu.memory_space<vmem>>
      %dma_start3A_132 = arith.constant 0 : i32
      %dma_start3A_133 = arith.constant 0 : i32
      %dma_start3A_134 = tpu.memref_slice %arg2[%dma_start3A_125, %dma_start3A_132, %dma_start3A_133] : memref<26x100000x16xf32, #tpu.memory_space<hbm>> -> memref<1x100000x16xf32, #tpu.memory_space<hbm>>
      %dma_start3A_135 = tpu.memref_squeeze %dma_start3A_134 : memref<1x100000x16xf32, #tpu.memory_space<hbm>> -> memref<100000x16xf32, #tpu.memory_space<hbm>>
      %dma_start3A_136 = arith.constant 0 : i32
      %dma_start3A_137 = arith.constant 0 : i32
      %dma_start3A_138 = tpu.memref_slice %dma_start3A_135[%dma_start3A_136, %dma_start3A_137] : memref<100000x16xf32, #tpu.memory_space<hbm>> -> memref<100000x16xf32, #tpu.memory_space<hbm>>
      tpu.enqueue_indirect_dma source(%dma_start3A_138 : memref<100000x16xf32, #tpu.memory_space<hbm>>) target(%dma_start3A_129 : memref<128x16xf32, #tpu.memory_space<vmem>>) offsets(%dma_start3A_131 : memref<128xi32, #tpu.memory_space<vmem>>) semaphore(%arg8 : memref<!tpu.dma_semaphore, #tpu.memory_space<semaphore_mem>>)
      %mul3A_139 = arith.constant 128 : i32
      %mul3A_140 = arith.muli %add3A_11, %mul3A_139 : i32
      %dma_start3A_141 = arith.constant 8 : i32
      %dma_start3A_142 = arith.constant 8 : i32
      %dma_start3A_143 = arith.constant 1024 : i32
      %dma_start3A_144 = arith.constant 0 : i32
      %dma_start3A_145 = tpu.memref_slice %arg6[%dma_start3A_143, %dma_start3A_144] : memref<3328x16xf32, #tpu.memory_space<vmem>> -> memref<128x16xf32, #tpu.memory_space<vmem>>
      %dma_start3A_146 = tpu.memref_slice %arg5[%dma_start3A_142, %mul3A_140] : memref<26x512xi32, #tpu.memory_space<vmem>> -> memref<1x128xi32, #tpu.memory_space<vmem>>
      %dma_start3A_147 = tpu.memref_squeeze %dma_start3A_146 : memref<1x128xi32, #tpu.memory_space<vmem>> -> memref<128xi32, #tpu.memory_space<vmem>>
      %dma_start3A_148 = arith.constant 0 : i32
      %dma_start3A_149 = arith.constant 0 : i32
      %dma_start3A_150 = tpu.memref_slice %arg2[%dma_start3A_141, %dma_start3A_148, %dma_start3A_149] : memref<26x100000x16xf32, #tpu.memory_space<hbm>> -> memref<1x100000x16xf32, #tpu.memory_space<hbm>>
      %dma_start3A_151 = tpu.memref_squeeze %dma_start3A_150 : memref<1x100000x16xf32, #tpu.memory_space<hbm>> -> memref<100000x16xf32, #tpu.memory_space<hbm>>
      %dma_start3A_152 = arith.constant 0 : i32
      %dma_start3A_153 = arith.constant 0 : i32
      %dma_start3A_154 = tpu.memref_slice %dma_start3A_151[%dma_start3A_152, %dma_start3A_153] : memref<100000x16xf32, #tpu.memory_space<hbm>> -> memref<100000x16xf32, #tpu.memory_space<hbm>>
      tpu.enqueue_indirect_dma source(%dma_start3A_154 : memref<100000x16xf32, #tpu.memory_space<hbm>>) target(%dma_start3A_145 : memref<128x16xf32, #tpu.memory_space<vmem>>) offsets(%dma_start3A_147 : memref<128xi32, #tpu.memory_space<vmem>>) semaphore(%arg8 : memref<!tpu.dma_semaphore, #tpu.memory_space<semaphore_mem>>)
      %mul3A_155 = arith.constant 128 : i32
      %mul3A_156 = arith.muli %add3A_11, %mul3A_155 : i32
      %dma_start3A_157 = arith.constant 9 : i32
      %dma_start3A_158 = arith.constant 9 : i32
      %dma_start3A_159 = arith.constant 1152 : i32
      %dma_start3A_160 = arith.constant 0 : i32
      %dma_start3A_161 = tpu.memref_slice %arg6[%dma_start3A_159, %dma_start3A_160] : memref<3328x16xf32, #tpu.memory_space<vmem>> -> memref<128x16xf32, #tpu.memory_space<vmem>>
      %dma_start3A_162 = tpu.memref_slice %arg5[%dma_start3A_158, %mul3A_156] : memref<26x512xi32, #tpu.memory_space<vmem>> -> memref<1x128xi32, #tpu.memory_space<vmem>>
      %dma_start3A_163 = tpu.memref_squeeze %dma_start3A_162 : memref<1x128xi32, #tpu.memory_space<vmem>> -> memref<128xi32, #tpu.memory_space<vmem>>
      %dma_start3A_164 = arith.constant 0 : i32
      %dma_start3A_165 = arith.constant 0 : i32
      %dma_start3A_166 = tpu.memref_slice %arg2[%dma_start3A_157, %dma_start3A_164, %dma_start3A_165] : memref<26x100000x16xf32, #tpu.memory_space<hbm>> -> memref<1x100000x16xf32, #tpu.memory_space<hbm>>
      %dma_start3A_167 = tpu.memref_squeeze %dma_start3A_166 : memref<1x100000x16xf32, #tpu.memory_space<hbm>> -> memref<100000x16xf32, #tpu.memory_space<hbm>>
      %dma_start3A_168 = arith.constant 0 : i32
      %dma_start3A_169 = arith.constant 0 : i32
      %dma_start3A_170 = tpu.memref_slice %dma_start3A_167[%dma_start3A_168, %dma_start3A_169] : memref<100000x16xf32, #tpu.memory_space<hbm>> -> memref<100000x16xf32, #tpu.memory_space<hbm>>
      tpu.enqueue_indirect_dma source(%dma_start3A_170 : memref<100000x16xf32, #tpu.memory_space<hbm>>) target(%dma_start3A_161 : memref<128x16xf32, #tpu.memory_space<vmem>>) offsets(%dma_start3A_163 : memref<128xi32, #tpu.memory_space<vmem>>) semaphore(%arg8 : memref<!tpu.dma_semaphore, #tpu.memory_space<semaphore_mem>>)
      %mul3A_171 = arith.constant 128 : i32
      %mul3A_172 = arith.muli %add3A_11, %mul3A_171 : i32
      %dma_start3A_173 = arith.constant 10 : i32
      %dma_start3A_174 = arith.constant 10 : i32
      %dma_start3A_175 = arith.constant 1280 : i32
      %dma_start3A_176 = arith.constant 0 : i32
      %dma_start3A_177 = tpu.memref_slice %arg6[%dma_start3A_175, %dma_start3A_176] : memref<3328x16xf32, #tpu.memory_space<vmem>> -> memref<128x16xf32, #tpu.memory_space<vmem>>
      %dma_start3A_178 = tpu.memref_slice %arg5[%dma_start3A_174, %mul3A_172] : memref<26x512xi32, #tpu.memory_space<vmem>> -> memref<1x128xi32, #tpu.memory_space<vmem>>
      %dma_start3A_179 = tpu.memref_squeeze %dma_start3A_178 : memref<1x128xi32, #tpu.memory_space<vmem>> -> memref<128xi32, #tpu.memory_space<vmem>>
      %dma_start3A_180 = arith.constant 0 : i32
      %dma_start3A_181 = arith.constant 0 : i32
      %dma_start3A_182 = tpu.memref_slice %arg2[%dma_start3A_173, %dma_start3A_180, %dma_start3A_181] : memref<26x100000x16xf32, #tpu.memory_space<hbm>> -> memref<1x100000x16xf32, #tpu.memory_space<hbm>>
      %dma_start3A_183 = tpu.memref_squeeze %dma_start3A_182 : memref<1x100000x16xf32, #tpu.memory_space<hbm>> -> memref<100000x16xf32, #tpu.memory_space<hbm>>
      %dma_start3A_184 = arith.constant 0 : i32
      %dma_start3A_185 = arith.constant 0 : i32
      %dma_start3A_186 = tpu.memref_slice %dma_start3A_183[%dma_start3A_184, %dma_start3A_185] : memref<100000x16xf32, #tpu.memory_space<hbm>> -> memref<100000x16xf32, #tpu.memory_space<hbm>>
      tpu.enqueue_indirect_dma source(%dma_start3A_186 : memref<100000x16xf32, #tpu.memory_space<hbm>>) target(%dma_start3A_177 : memref<128x16xf32, #tpu.memory_space<vmem>>) offsets(%dma_start3A_179 : memref<128xi32, #tpu.memory_space<vmem>>) semaphore(%arg8 : memref<!tpu.dma_semaphore, #tpu.memory_space<semaphore_mem>>)
      %mul3A_187 = arith.constant 128 : i32
      %mul3A_188 = arith.muli %add3A_11, %mul3A_187 : i32
      %dma_start3A_189 = arith.constant 11 : i32
      %dma_start3A_190 = arith.constant 11 : i32
      %dma_start3A_191 = arith.constant 1408 : i32
      %dma_start3A_192 = arith.constant 0 : i32
      %dma_start3A_193 = tpu.memref_slice %arg6[%dma_start3A_191, %dma_start3A_192] : memref<3328x16xf32, #tpu.memory_space<vmem>> -> memref<128x16xf32, #tpu.memory_space<vmem>>
      %dma_start3A_194 = tpu.memref_slice %arg5[%dma_start3A_190, %mul3A_188] : memref<26x512xi32, #tpu.memory_space<vmem>> -> memref<1x128xi32, #tpu.memory_space<vmem>>
      %dma_start3A_195 = tpu.memref_squeeze %dma_start3A_194 : memref<1x128xi32, #tpu.memory_space<vmem>> -> memref<128xi32, #tpu.memory_space<vmem>>
      %dma_start3A_196 = arith.constant 0 : i32
      %dma_start3A_197 = arith.constant 0 : i32
      %dma_start3A_198 = tpu.memref_slice %arg2[%dma_start3A_189, %dma_start3A_196, %dma_start3A_197] : memref<26x100000x16xf32, #tpu.memory_space<hbm>> -> memref<1x100000x16xf32, #tpu.memory_space<hbm>>
      %dma_start3A_199 = tpu.memref_squeeze %dma_start3A_198 : memref<1x100000x16xf32, #tpu.memory_space<hbm>> -> memref<100000x16xf32, #tpu.memory_space<hbm>>
      %dma_start3A_200 = arith.constant 0 : i32
      %dma_start3A_201 = arith.constant 0 : i32
      %dma_start3A_202 = tpu.memref_slice %dma_start3A_199[%dma_start3A_200, %dma_start3A_201] : memref<100000x16xf32, #tpu.memory_space<hbm>> -> memref<100000x16xf32, #tpu.memory_space<hbm>>
      tpu.enqueue_indirect_dma source(%dma_start3A_202 : memref<100000x16xf32, #tpu.memory_space<hbm>>) target(%dma_start3A_193 : memref<128x16xf32, #tpu.memory_space<vmem>>) offsets(%dma_start3A_195 : memref<128xi32, #tpu.memory_space<vmem>>) semaphore(%arg8 : memref<!tpu.dma_semaphore, #tpu.memory_space<semaphore_mem>>)
      %mul3A_203 = arith.constant 128 : i32
      %mul3A_204 = arith.muli %add3A_11, %mul3A_203 : i32
      %dma_start3A_205 = arith.constant 12 : i32
      %dma_start3A_206 = arith.constant 12 : i32
      %dma_start3A_207 = arith.constant 1536 : i32
      %dma_start3A_208 = arith.constant 0 : i32
      %dma_start3A_209 = tpu.memref_slice %arg6[%dma_start3A_207, %dma_start3A_208] : memref<3328x16xf32, #tpu.memory_space<vmem>> -> memref<128x16xf32, #tpu.memory_space<vmem>>
      %dma_start3A_210 = tpu.memref_slice %arg5[%dma_start3A_206, %mul3A_204] : memref<26x512xi32, #tpu.memory_space<vmem>> -> memref<1x128xi32, #tpu.memory_space<vmem>>
      %dma_start3A_211 = tpu.memref_squeeze %dma_start3A_210 : memref<1x128xi32, #tpu.memory_space<vmem>> -> memref<128xi32, #tpu.memory_space<vmem>>
      %dma_start3A_212 = arith.constant 0 : i32
      %dma_start3A_213 = arith.constant 0 : i32
      %dma_start3A_214 = tpu.memref_slice %arg2[%dma_start3A_205, %dma_start3A_212, %dma_start3A_213] : memref<26x100000x16xf32, #tpu.memory_space<hbm>> -> memref<1x100000x16xf32, #tpu.memory_space<hbm>>
      %dma_start3A_215 = tpu.memref_squeeze %dma_start3A_214 : memref<1x100000x16xf32, #tpu.memory_space<hbm>> -> memref<100000x16xf32, #tpu.memory_space<hbm>>
      %dma_start3A_216 = arith.constant 0 : i32
      %dma_start3A_217 = arith.constant 0 : i32
      %dma_start3A_218 = tpu.memref_slice %dma_start3A_215[%dma_start3A_216, %dma_start3A_217] : memref<100000x16xf32, #tpu.memory_space<hbm>> -> memref<100000x16xf32, #tpu.memory_space<hbm>>
      tpu.enqueue_indirect_dma source(%dma_start3A_218 : memref<100000x16xf32, #tpu.memory_space<hbm>>) target(%dma_start3A_209 : memref<128x16xf32, #tpu.memory_space<vmem>>) offsets(%dma_start3A_211 : memref<128xi32, #tpu.memory_space<vmem>>) semaphore(%arg8 : memref<!tpu.dma_semaphore, #tpu.memory_space<semaphore_mem>>)
      %mul3A_219 = arith.constant 128 : i32
      %mul3A_220 = arith.muli %add3A_11, %mul3A_219 : i32
      %dma_start3A_221 = arith.constant 13 : i32
      %dma_start3A_222 = arith.constant 13 : i32
      %dma_start3A_223 = arith.constant 1664 : i32
      %dma_start3A_224 = arith.constant 0 : i32
      %dma_start3A_225 = tpu.memref_slice %arg6[%dma_start3A_223, %dma_start3A_224] : memref<3328x16xf32, #tpu.memory_space<vmem>> -> memref<128x16xf32, #tpu.memory_space<vmem>>
      %dma_start3A_226 = tpu.memref_slice %arg5[%dma_start3A_222, %mul3A_220] : memref<26x512xi32, #tpu.memory_space<vmem>> -> memref<1x128xi32, #tpu.memory_space<vmem>>
      %dma_start3A_227 = tpu.memref_squeeze %dma_start3A_226 : memref<1x128xi32, #tpu.memory_space<vmem>> -> memref<128xi32, #tpu.memory_space<vmem>>
      %dma_start3A_228 = arith.constant 0 : i32
      %dma_start3A_229 = arith.constant 0 : i32
      %dma_start3A_230 = tpu.memref_slice %arg2[%dma_start3A_221, %dma_start3A_228, %dma_start3A_229] : memref<26x100000x16xf32, #tpu.memory_space<hbm>> -> memref<1x100000x16xf32, #tpu.memory_space<hbm>>
      %dma_start3A_231 = tpu.memref_squeeze %dma_start3A_230 : memref<1x100000x16xf32, #tpu.memory_space<hbm>> -> memref<100000x16xf32, #tpu.memory_space<hbm>>
      %dma_start3A_232 = arith.constant 0 : i32
      %dma_start3A_233 = arith.constant 0 : i32
      %dma_start3A_234 = tpu.memref_slice %dma_start3A_231[%dma_start3A_232, %dma_start3A_233] : memref<100000x16xf32, #tpu.memory_space<hbm>> -> memref<100000x16xf32, #tpu.memory_space<hbm>>
      tpu.enqueue_indirect_dma source(%dma_start3A_234 : memref<100000x16xf32, #tpu.memory_space<hbm>>) target(%dma_start3A_225 : memref<128x16xf32, #tpu.memory_space<vmem>>) offsets(%dma_start3A_227 : memref<128xi32, #tpu.memory_space<vmem>>) semaphore(%arg8 : memref<!tpu.dma_semaphore, #tpu.memory_space<semaphore_mem>>)
      %mul3A_235 = arith.constant 128 : i32
      %mul3A_236 = arith.muli %add3A_11, %mul3A_235 : i32
      %dma_start3A_237 = arith.constant 14 : i32
      %dma_start3A_238 = arith.constant 14 : i32
      %dma_start3A_239 = arith.constant 1792 : i32
      %dma_start3A_240 = arith.constant 0 : i32
      %dma_start3A_241 = tpu.memref_slice %arg6[%dma_start3A_239, %dma_start3A_240] : memref<3328x16xf32, #tpu.memory_space<vmem>> -> memref<128x16xf32, #tpu.memory_space<vmem>>
      %dma_start3A_242 = tpu.memref_slice %arg5[%dma_start3A_238, %mul3A_236] : memref<26x512xi32, #tpu.memory_space<vmem>> -> memref<1x128xi32, #tpu.memory_space<vmem>>
      %dma_start3A_243 = tpu.memref_squeeze %dma_start3A_242 : memref<1x128xi32, #tpu.memory_space<vmem>> -> memref<128xi32, #tpu.memory_space<vmem>>
      %dma_start3A_244 = arith.constant 0 : i32
      %dma_start3A_245 = arith.constant 0 : i32
      %dma_start3A_246 = tpu.memref_slice %arg2[%dma_start3A_237, %dma_start3A_244, %dma_start3A_245] : memref<26x100000x16xf32, #tpu.memory_space<hbm>> -> memref<1x100000x16xf32, #tpu.memory_space<hbm>>
      %dma_start3A_247 = tpu.memref_squeeze %dma_start3A_246 : memref<1x100000x16xf32, #tpu.memory_space<hbm>> -> memref<100000x16xf32, #tpu.memory_space<hbm>>
      %dma_start3A_248 = arith.constant 0 : i32
      %dma_start3A_249 = arith.constant 0 : i32
      %dma_start3A_250 = tpu.memref_slice %dma_start3A_247[%dma_start3A_248, %dma_start3A_249] : memref<100000x16xf32, #tpu.memory_space<hbm>> -> memref<100000x16xf32, #tpu.memory_space<hbm>>
      tpu.enqueue_indirect_dma source(%dma_start3A_250 : memref<100000x16xf32, #tpu.memory_space<hbm>>) target(%dma_start3A_241 : memref<128x16xf32, #tpu.memory_space<vmem>>) offsets(%dma_start3A_243 : memref<128xi32, #tpu.memory_space<vmem>>) semaphore(%arg8 : memref<!tpu.dma_semaphore, #tpu.memory_space<semaphore_mem>>)
      %mul3A_251 = arith.constant 128 : i32
      %mul3A_252 = arith.muli %add3A_11, %mul3A_251 : i32
      %dma_start3A_253 = arith.constant 15 : i32
      %dma_start3A_254 = arith.constant 15 : i32
      %dma_start3A_255 = arith.constant 1920 : i32
      %dma_start3A_256 = arith.constant 0 : i32
      %dma_start3A_257 = tpu.memref_slice %arg6[%dma_start3A_255, %dma_start3A_256] : memref<3328x16xf32, #tpu.memory_space<vmem>> -> memref<128x16xf32, #tpu.memory_space<vmem>>
      %dma_start3A_258 = tpu.memref_slice %arg5[%dma_start3A_254, %mul3A_252] : memref<26x512xi32, #tpu.memory_space<vmem>> -> memref<1x128xi32, #tpu.memory_space<vmem>>
      %dma_start3A_259 = tpu.memref_squeeze %dma_start3A_258 : memref<1x128xi32, #tpu.memory_space<vmem>> -> memref<128xi32, #tpu.memory_space<vmem>>
      %dma_start3A_260 = arith.constant 0 : i32
      %dma_start3A_261 = arith.constant 0 : i32
      %dma_start3A_262 = tpu.memref_slice %arg2[%dma_start3A_253, %dma_start3A_260, %dma_start3A_261] : memref<26x100000x16xf32, #tpu.memory_space<hbm>> -> memref<1x100000x16xf32, #tpu.memory_space<hbm>>
      %dma_start3A_263 = tpu.memref_squeeze %dma_start3A_262 : memref<1x100000x16xf32, #tpu.memory_space<hbm>> -> memref<100000x16xf32, #tpu.memory_space<hbm>>
      %dma_start3A_264 = arith.constant 0 : i32
      %dma_start3A_265 = arith.constant 0 : i32
      %dma_start3A_266 = tpu.memref_slice %dma_start3A_263[%dma_start3A_264, %dma_start3A_265] : memref<100000x16xf32, #tpu.memory_space<hbm>> -> memref<100000x16xf32, #tpu.memory_space<hbm>>
      tpu.enqueue_indirect_dma source(%dma_start3A_266 : memref<100000x16xf32, #tpu.memory_space<hbm>>) target(%dma_start3A_257 : memref<128x16xf32, #tpu.memory_space<vmem>>) offsets(%dma_start3A_259 : memref<128xi32, #tpu.memory_space<vmem>>) semaphore(%arg8 : memref<!tpu.dma_semaphore, #tpu.memory_space<semaphore_mem>>)
      %mul3A_267 = arith.constant 128 : i32
      %mul3A_268 = arith.muli %add3A_11, %mul3A_267 : i32
      %dma_start3A_269 = arith.constant 16 : i32
      %dma_start3A_270 = arith.constant 16 : i32
      %dma_start3A_271 = arith.constant 2048 : i32
      %dma_start3A_272 = arith.constant 0 : i32
      %dma_start3A_273 = tpu.memref_slice %arg6[%dma_start3A_271, %dma_start3A_272] : memref<3328x16xf32, #tpu.memory_space<vmem>> -> memref<128x16xf32, #tpu.memory_space<vmem>>
      %dma_start3A_274 = tpu.memref_slice %arg5[%dma_start3A_270, %mul3A_268] : memref<26x512xi32, #tpu.memory_space<vmem>> -> memref<1x128xi32, #tpu.memory_space<vmem>>
      %dma_start3A_275 = tpu.memref_squeeze %dma_start3A_274 : memref<1x128xi32, #tpu.memory_space<vmem>> -> memref<128xi32, #tpu.memory_space<vmem>>
      %dma_start3A_276 = arith.constant 0 : i32
      %dma_start3A_277 = arith.constant 0 : i32
      %dma_start3A_278 = tpu.memref_slice %arg2[%dma_start3A_269, %dma_start3A_276, %dma_start3A_277] : memref<26x100000x16xf32, #tpu.memory_space<hbm>> -> memref<1x100000x16xf32, #tpu.memory_space<hbm>>
      %dma_start3A_279 = tpu.memref_squeeze %dma_start3A_278 : memref<1x100000x16xf32, #tpu.memory_space<hbm>> -> memref<100000x16xf32, #tpu.memory_space<hbm>>
      %dma_start3A_280 = arith.constant 0 : i32
      %dma_start3A_281 = arith.constant 0 : i32
      %dma_start3A_282 = tpu.memref_slice %dma_start3A_279[%dma_start3A_280, %dma_start3A_281] : memref<100000x16xf32, #tpu.memory_space<hbm>> -> memref<100000x16xf32, #tpu.memory_space<hbm>>
      tpu.enqueue_indirect_dma source(%dma_start3A_282 : memref<100000x16xf32, #tpu.memory_space<hbm>>) target(%dma_start3A_273 : memref<128x16xf32, #tpu.memory_space<vmem>>) offsets(%dma_start3A_275 : memref<128xi32, #tpu.memory_space<vmem>>) semaphore(%arg8 : memref<!tpu.dma_semaphore, #tpu.memory_space<semaphore_mem>>)
      %mul3A_283 = arith.constant 128 : i32
      %mul3A_284 = arith.muli %add3A_11, %mul3A_283 : i32
      %dma_start3A_285 = arith.constant 17 : i32
      %dma_start3A_286 = arith.constant 17 : i32
      %dma_start3A_287 = arith.constant 2176 : i32
      %dma_start3A_288 = arith.constant 0 : i32
      %dma_start3A_289 = tpu.memref_slice %arg6[%dma_start3A_287, %dma_start3A_288] : memref<3328x16xf32, #tpu.memory_space<vmem>> -> memref<128x16xf32, #tpu.memory_space<vmem>>
      %dma_start3A_290 = tpu.memref_slice %arg5[%dma_start3A_286, %mul3A_284] : memref<26x512xi32, #tpu.memory_space<vmem>> -> memref<1x128xi32, #tpu.memory_space<vmem>>
      %dma_start3A_291 = tpu.memref_squeeze %dma_start3A_290 : memref<1x128xi32, #tpu.memory_space<vmem>> -> memref<128xi32, #tpu.memory_space<vmem>>
      %dma_start3A_292 = arith.constant 0 : i32
      %dma_start3A_293 = arith.constant 0 : i32
      %dma_start3A_294 = tpu.memref_slice %arg2[%dma_start3A_285, %dma_start3A_292, %dma_start3A_293] : memref<26x100000x16xf32, #tpu.memory_space<hbm>> -> memref<1x100000x16xf32, #tpu.memory_space<hbm>>
      %dma_start3A_295 = tpu.memref_squeeze %dma_start3A_294 : memref<1x100000x16xf32, #tpu.memory_space<hbm>> -> memref<100000x16xf32, #tpu.memory_space<hbm>>
      %dma_start3A_296 = arith.constant 0 : i32
      %dma_start3A_297 = arith.constant 0 : i32
      %dma_start3A_298 = tpu.memref_slice %dma_start3A_295[%dma_start3A_296, %dma_start3A_297] : memref<100000x16xf32, #tpu.memory_space<hbm>> -> memref<100000x16xf32, #tpu.memory_space<hbm>>
      tpu.enqueue_indirect_dma source(%dma_start3A_298 : memref<100000x16xf32, #tpu.memory_space<hbm>>) target(%dma_start3A_289 : memref<128x16xf32, #tpu.memory_space<vmem>>) offsets(%dma_start3A_291 : memref<128xi32, #tpu.memory_space<vmem>>) semaphore(%arg8 : memref<!tpu.dma_semaphore, #tpu.memory_space<semaphore_mem>>)
      %mul3A_299 = arith.constant 128 : i32
      %mul3A_300 = arith.muli %add3A_11, %mul3A_299 : i32
      %dma_start3A_301 = arith.constant 18 : i32
      %dma_start3A_302 = arith.constant 18 : i32
      %dma_start3A_303 = arith.constant 2304 : i32
      %dma_start3A_304 = arith.constant 0 : i32
      %dma_start3A_305 = tpu.memref_slice %arg6[%dma_start3A_303, %dma_start3A_304] : memref<3328x16xf32, #tpu.memory_space<vmem>> -> memref<128x16xf32, #tpu.memory_space<vmem>>
      %dma_start3A_306 = tpu.memref_slice %arg5[%dma_start3A_302, %mul3A_300] : memref<26x512xi32, #tpu.memory_space<vmem>> -> memref<1x128xi32, #tpu.memory_space<vmem>>
      %dma_start3A_307 = tpu.memref_squeeze %dma_start3A_306 : memref<1x128xi32, #tpu.memory_space<vmem>> -> memref<128xi32, #tpu.memory_space<vmem>>
      %dma_start3A_308 = arith.constant 0 : i32
      %dma_start3A_309 = arith.constant 0 : i32
      %dma_start3A_310 = tpu.memref_slice %arg2[%dma_start3A_301, %dma_start3A_308, %dma_start3A_309] : memref<26x100000x16xf32, #tpu.memory_space<hbm>> -> memref<1x100000x16xf32, #tpu.memory_space<hbm>>
      %dma_start3A_311 = tpu.memref_squeeze %dma_start3A_310 : memref<1x100000x16xf32, #tpu.memory_space<hbm>> -> memref<100000x16xf32, #tpu.memory_space<hbm>>
      %dma_start3A_312 = arith.constant 0 : i32
      %dma_start3A_313 = arith.constant 0 : i32
      %dma_start3A_314 = tpu.memref_slice %dma_start3A_311[%dma_start3A_312, %dma_start3A_313] : memref<100000x16xf32, #tpu.memory_space<hbm>> -> memref<100000x16xf32, #tpu.memory_space<hbm>>
      tpu.enqueue_indirect_dma source(%dma_start3A_314 : memref<100000x16xf32, #tpu.memory_space<hbm>>) target(%dma_start3A_305 : memref<128x16xf32, #tpu.memory_space<vmem>>) offsets(%dma_start3A_307 : memref<128xi32, #tpu.memory_space<vmem>>) semaphore(%arg8 : memref<!tpu.dma_semaphore, #tpu.memory_space<semaphore_mem>>)
      %mul3A_315 = arith.constant 128 : i32
      %mul3A_316 = arith.muli %add3A_11, %mul3A_315 : i32
      %dma_start3A_317 = arith.constant 19 : i32
      %dma_start3A_318 = arith.constant 19 : i32
      %dma_start3A_319 = arith.constant 2432 : i32
      %dma_start3A_320 = arith.constant 0 : i32
      %dma_start3A_321 = tpu.memref_slice %arg6[%dma_start3A_319, %dma_start3A_320] : memref<3328x16xf32, #tpu.memory_space<vmem>> -> memref<128x16xf32, #tpu.memory_space<vmem>>
      %dma_start3A_322 = tpu.memref_slice %arg5[%dma_start3A_318, %mul3A_316] : memref<26x512xi32, #tpu.memory_space<vmem>> -> memref<1x128xi32, #tpu.memory_space<vmem>>
      %dma_start3A_323 = tpu.memref_squeeze %dma_start3A_322 : memref<1x128xi32, #tpu.memory_space<vmem>> -> memref<128xi32, #tpu.memory_space<vmem>>
      %dma_start3A_324 = arith.constant 0 : i32
      %dma_start3A_325 = arith.constant 0 : i32
      %dma_start3A_326 = tpu.memref_slice %arg2[%dma_start3A_317, %dma_start3A_324, %dma_start3A_325] : memref<26x100000x16xf32, #tpu.memory_space<hbm>> -> memref<1x100000x16xf32, #tpu.memory_space<hbm>>
      %dma_start3A_327 = tpu.memref_squeeze %dma_start3A_326 : memref<1x100000x16xf32, #tpu.memory_space<hbm>> -> memref<100000x16xf32, #tpu.memory_space<hbm>>
      %dma_start3A_328 = arith.constant 0 : i32
      %dma_start3A_329 = arith.constant 0 : i32
      %dma_start3A_330 = tpu.memref_slice %dma_start3A_327[%dma_start3A_328, %dma_start3A_329] : memref<100000x16xf32, #tpu.memory_space<hbm>> -> memref<100000x16xf32, #tpu.memory_space<hbm>>
      tpu.enqueue_indirect_dma source(%dma_start3A_330 : memref<100000x16xf32, #tpu.memory_space<hbm>>) target(%dma_start3A_321 : memref<128x16xf32, #tpu.memory_space<vmem>>) offsets(%dma_start3A_323 : memref<128xi32, #tpu.memory_space<vmem>>) semaphore(%arg8 : memref<!tpu.dma_semaphore, #tpu.memory_space<semaphore_mem>>)
      %mul3A_331 = arith.constant 128 : i32
      %mul3A_332 = arith.muli %add3A_11, %mul3A_331 : i32
      %dma_start3A_333 = arith.constant 20 : i32
      %dma_start3A_334 = arith.constant 20 : i32
      %dma_start3A_335 = arith.constant 2560 : i32
      %dma_start3A_336 = arith.constant 0 : i32
      %dma_start3A_337 = tpu.memref_slice %arg6[%dma_start3A_335, %dma_start3A_336] : memref<3328x16xf32, #tpu.memory_space<vmem>> -> memref<128x16xf32, #tpu.memory_space<vmem>>
      %dma_start3A_338 = tpu.memref_slice %arg5[%dma_start3A_334, %mul3A_332] : memref<26x512xi32, #tpu.memory_space<vmem>> -> memref<1x128xi32, #tpu.memory_space<vmem>>
      %dma_start3A_339 = tpu.memref_squeeze %dma_start3A_338 : memref<1x128xi32, #tpu.memory_space<vmem>> -> memref<128xi32, #tpu.memory_space<vmem>>
      %dma_start3A_340 = arith.constant 0 : i32
      %dma_start3A_341 = arith.constant 0 : i32
      %dma_start3A_342 = tpu.memref_slice %arg2[%dma_start3A_333, %dma_start3A_340, %dma_start3A_341] : memref<26x100000x16xf32, #tpu.memory_space<hbm>> -> memref<1x100000x16xf32, #tpu.memory_space<hbm>>
      %dma_start3A_343 = tpu.memref_squeeze %dma_start3A_342 : memref<1x100000x16xf32, #tpu.memory_space<hbm>> -> memref<100000x16xf32, #tpu.memory_space<hbm>>
      %dma_start3A_344 = arith.constant 0 : i32
      %dma_start3A_345 = arith.constant 0 : i32
      %dma_start3A_346 = tpu.memref_slice %dma_start3A_343[%dma_start3A_344, %dma_start3A_345] : memref<100000x16xf32, #tpu.memory_space<hbm>> -> memref<100000x16xf32, #tpu.memory_space<hbm>>
      tpu.enqueue_indirect_dma source(%dma_start3A_346 : memref<100000x16xf32, #tpu.memory_space<hbm>>) target(%dma_start3A_337 : memref<128x16xf32, #tpu.memory_space<vmem>>) offsets(%dma_start3A_339 : memref<128xi32, #tpu.memory_space<vmem>>) semaphore(%arg8 : memref<!tpu.dma_semaphore, #tpu.memory_space<semaphore_mem>>)
      %mul3A_347 = arith.constant 128 : i32
      %mul3A_348 = arith.muli %add3A_11, %mul3A_347 : i32
      %dma_start3A_349 = arith.constant 21 : i32
      %dma_start3A_350 = arith.constant 21 : i32
      %dma_start3A_351 = arith.constant 2688 : i32
      %dma_start3A_352 = arith.constant 0 : i32
      %dma_start3A_353 = tpu.memref_slice %arg6[%dma_start3A_351, %dma_start3A_352] : memref<3328x16xf32, #tpu.memory_space<vmem>> -> memref<128x16xf32, #tpu.memory_space<vmem>>
      %dma_start3A_354 = tpu.memref_slice %arg5[%dma_start3A_350, %mul3A_348] : memref<26x512xi32, #tpu.memory_space<vmem>> -> memref<1x128xi32, #tpu.memory_space<vmem>>
      %dma_start3A_355 = tpu.memref_squeeze %dma_start3A_354 : memref<1x128xi32, #tpu.memory_space<vmem>> -> memref<128xi32, #tpu.memory_space<vmem>>
      %dma_start3A_356 = arith.constant 0 : i32
      %dma_start3A_357 = arith.constant 0 : i32
      %dma_start3A_358 = tpu.memref_slice %arg2[%dma_start3A_349, %dma_start3A_356, %dma_start3A_357] : memref<26x100000x16xf32, #tpu.memory_space<hbm>> -> memref<1x100000x16xf32, #tpu.memory_space<hbm>>
      %dma_start3A_359 = tpu.memref_squeeze %dma_start3A_358 : memref<1x100000x16xf32, #tpu.memory_space<hbm>> -> memref<100000x16xf32, #tpu.memory_space<hbm>>
      %dma_start3A_360 = arith.constant 0 : i32
      %dma_start3A_361 = arith.constant 0 : i32
      %dma_start3A_362 = tpu.memref_slice %dma_start3A_359[%dma_start3A_360, %dma_start3A_361] : memref<100000x16xf32, #tpu.memory_space<hbm>> -> memref<100000x16xf32, #tpu.memory_space<hbm>>
      tpu.enqueue_indirect_dma source(%dma_start3A_362 : memref<100000x16xf32, #tpu.memory_space<hbm>>) target(%dma_start3A_353 : memref<128x16xf32, #tpu.memory_space<vmem>>) offsets(%dma_start3A_355 : memref<128xi32, #tpu.memory_space<vmem>>) semaphore(%arg8 : memref<!tpu.dma_semaphore, #tpu.memory_space<semaphore_mem>>)
      %mul3A_363 = arith.constant 128 : i32
      %mul3A_364 = arith.muli %add3A_11, %mul3A_363 : i32
      %dma_start3A_365 = arith.constant 22 : i32
      %dma_start3A_366 = arith.constant 22 : i32
      %dma_start3A_367 = arith.constant 2816 : i32
      %dma_start3A_368 = arith.constant 0 : i32
      %dma_start3A_369 = tpu.memref_slice %arg6[%dma_start3A_367, %dma_start3A_368] : memref<3328x16xf32, #tpu.memory_space<vmem>> -> memref<128x16xf32, #tpu.memory_space<vmem>>
      %dma_start3A_370 = tpu.memref_slice %arg5[%dma_start3A_366, %mul3A_364] : memref<26x512xi32, #tpu.memory_space<vmem>> -> memref<1x128xi32, #tpu.memory_space<vmem>>
      %dma_start3A_371 = tpu.memref_squeeze %dma_start3A_370 : memref<1x128xi32, #tpu.memory_space<vmem>> -> memref<128xi32, #tpu.memory_space<vmem>>
      %dma_start3A_372 = arith.constant 0 : i32
      %dma_start3A_373 = arith.constant 0 : i32
      %dma_start3A_374 = tpu.memref_slice %arg2[%dma_start3A_365, %dma_start3A_372, %dma_start3A_373] : memref<26x100000x16xf32, #tpu.memory_space<hbm>> -> memref<1x100000x16xf32, #tpu.memory_space<hbm>>
      %dma_start3A_375 = tpu.memref_squeeze %dma_start3A_374 : memref<1x100000x16xf32, #tpu.memory_space<hbm>> -> memref<100000x16xf32, #tpu.memory_space<hbm>>
      %dma_start3A_376 = arith.constant 0 : i32
      %dma_start3A_377 = arith.constant 0 : i32
      %dma_start3A_378 = tpu.memref_slice %dma_start3A_375[%dma_start3A_376, %dma_start3A_377] : memref<100000x16xf32, #tpu.memory_space<hbm>> -> memref<100000x16xf32, #tpu.memory_space<hbm>>
      tpu.enqueue_indirect_dma source(%dma_start3A_378 : memref<100000x16xf32, #tpu.memory_space<hbm>>) target(%dma_start3A_369 : memref<128x16xf32, #tpu.memory_space<vmem>>) offsets(%dma_start3A_371 : memref<128xi32, #tpu.memory_space<vmem>>) semaphore(%arg8 : memref<!tpu.dma_semaphore, #tpu.memory_space<semaphore_mem>>)
      %mul3A_379 = arith.constant 128 : i32
      %mul3A_380 = arith.muli %add3A_11, %mul3A_379 : i32
      %dma_start3A_381 = arith.constant 23 : i32
      %dma_start3A_382 = arith.constant 23 : i32
      %dma_start3A_383 = arith.constant 2944 : i32
      %dma_start3A_384 = arith.constant 0 : i32
      %dma_start3A_385 = tpu.memref_slice %arg6[%dma_start3A_383, %dma_start3A_384] : memref<3328x16xf32, #tpu.memory_space<vmem>> -> memref<128x16xf32, #tpu.memory_space<vmem>>
      %dma_start3A_386 = tpu.memref_slice %arg5[%dma_start3A_382, %mul3A_380] : memref<26x512xi32, #tpu.memory_space<vmem>> -> memref<1x128xi32, #tpu.memory_space<vmem>>
      %dma_start3A_387 = tpu.memref_squeeze %dma_start3A_386 : memref<1x128xi32, #tpu.memory_space<vmem>> -> memref<128xi32, #tpu.memory_space<vmem>>
      %dma_start3A_388 = arith.constant 0 : i32
      %dma_start3A_389 = arith.constant 0 : i32
      %dma_start3A_390 = tpu.memref_slice %arg2[%dma_start3A_381, %dma_start3A_388, %dma_start3A_389] : memref<26x100000x16xf32, #tpu.memory_space<hbm>> -> memref<1x100000x16xf32, #tpu.memory_space<hbm>>
      %dma_start3A_391 = tpu.memref_squeeze %dma_start3A_390 : memref<1x100000x16xf32, #tpu.memory_space<hbm>> -> memref<100000x16xf32, #tpu.memory_space<hbm>>
      %dma_start3A_392 = arith.constant 0 : i32
      %dma_start3A_393 = arith.constant 0 : i32
      %dma_start3A_394 = tpu.memref_slice %dma_start3A_391[%dma_start3A_392, %dma_start3A_393] : memref<100000x16xf32, #tpu.memory_space<hbm>> -> memref<100000x16xf32, #tpu.memory_space<hbm>>
      tpu.enqueue_indirect_dma source(%dma_start3A_394 : memref<100000x16xf32, #tpu.memory_space<hbm>>) target(%dma_start3A_385 : memref<128x16xf32, #tpu.memory_space<vmem>>) offsets(%dma_start3A_387 : memref<128xi32, #tpu.memory_space<vmem>>) semaphore(%arg8 : memref<!tpu.dma_semaphore, #tpu.memory_space<semaphore_mem>>)
      %mul3A_395 = arith.constant 128 : i32
      %mul3A_396 = arith.muli %add3A_11, %mul3A_395 : i32
      %dma_start3A_397 = arith.constant 24 : i32
      %dma_start3A_398 = arith.constant 24 : i32
      %dma_start3A_399 = arith.constant 3072 : i32
      %dma_start3A_400 = arith.constant 0 : i32
      %dma_start3A_401 = tpu.memref_slice %arg6[%dma_start3A_399, %dma_start3A_400] : memref<3328x16xf32, #tpu.memory_space<vmem>> -> memref<128x16xf32, #tpu.memory_space<vmem>>
      %dma_start3A_402 = tpu.memref_slice %arg5[%dma_start3A_398, %mul3A_396] : memref<26x512xi32, #tpu.memory_space<vmem>> -> memref<1x128xi32, #tpu.memory_space<vmem>>
      %dma_start3A_403 = tpu.memref_squeeze %dma_start3A_402 : memref<1x128xi32, #tpu.memory_space<vmem>> -> memref<128xi32, #tpu.memory_space<vmem>>
      %dma_start3A_404 = arith.constant 0 : i32
      %dma_start3A_405 = arith.constant 0 : i32
      %dma_start3A_406 = tpu.memref_slice %arg2[%dma_start3A_397, %dma_start3A_404, %dma_start3A_405] : memref<26x100000x16xf32, #tpu.memory_space<hbm>> -> memref<1x100000x16xf32, #tpu.memory_space<hbm>>
      %dma_start3A_407 = tpu.memref_squeeze %dma_start3A_406 : memref<1x100000x16xf32, #tpu.memory_space<hbm>> -> memref<100000x16xf32, #tpu.memory_space<hbm>>
      %dma_start3A_408 = arith.constant 0 : i32
      %dma_start3A_409 = arith.constant 0 : i32
      %dma_start3A_410 = tpu.memref_slice %dma_start3A_407[%dma_start3A_408, %dma_start3A_409] : memref<100000x16xf32, #tpu.memory_space<hbm>> -> memref<100000x16xf32, #tpu.memory_space<hbm>>
      tpu.enqueue_indirect_dma source(%dma_start3A_410 : memref<100000x16xf32, #tpu.memory_space<hbm>>) target(%dma_start3A_401 : memref<128x16xf32, #tpu.memory_space<vmem>>) offsets(%dma_start3A_403 : memref<128xi32, #tpu.memory_space<vmem>>) semaphore(%arg8 : memref<!tpu.dma_semaphore, #tpu.memory_space<semaphore_mem>>)
      %mul3A_411 = arith.constant 128 : i32
      %mul3A_412 = arith.muli %add3A_11, %mul3A_411 : i32
      %dma_start3A_413 = arith.constant 25 : i32
      %dma_start3A_414 = arith.constant 25 : i32
      %dma_start3A_415 = arith.constant 3200 : i32
      %dma_start3A_416 = arith.constant 0 : i32
      %dma_start3A_417 = tpu.memref_slice %arg6[%dma_start3A_415, %dma_start3A_416] : memref<3328x16xf32, #tpu.memory_space<vmem>> -> memref<128x16xf32, #tpu.memory_space<vmem>>
      %dma_start3A_418 = tpu.memref_slice %arg5[%dma_start3A_414, %mul3A_412] : memref<26x512xi32, #tpu.memory_space<vmem>> -> memref<1x128xi32, #tpu.memory_space<vmem>>
      %dma_start3A_419 = tpu.memref_squeeze %dma_start3A_418 : memref<1x128xi32, #tpu.memory_space<vmem>> -> memref<128xi32, #tpu.memory_space<vmem>>
      %dma_start3A_420 = arith.constant 0 : i32
      %dma_start3A_421 = arith.constant 0 : i32
      %dma_start3A_422 = tpu.memref_slice %arg2[%dma_start3A_413, %dma_start3A_420, %dma_start3A_421] : memref<26x100000x16xf32, #tpu.memory_space<hbm>> -> memref<1x100000x16xf32, #tpu.memory_space<hbm>>
      %dma_start3A_423 = tpu.memref_squeeze %dma_start3A_422 : memref<1x100000x16xf32, #tpu.memory_space<hbm>> -> memref<100000x16xf32, #tpu.memory_space<hbm>>
      %dma_start3A_424 = arith.constant 0 : i32
      %dma_start3A_425 = arith.constant 0 : i32
      %dma_start3A_426 = tpu.memref_slice %dma_start3A_423[%dma_start3A_424, %dma_start3A_425] : memref<100000x16xf32, #tpu.memory_space<hbm>> -> memref<100000x16xf32, #tpu.memory_space<hbm>>
      tpu.enqueue_indirect_dma source(%dma_start3A_426 : memref<100000x16xf32, #tpu.memory_space<hbm>>) target(%dma_start3A_417 : memref<128x16xf32, #tpu.memory_space<vmem>>) offsets(%dma_start3A_419 : memref<128xi32, #tpu.memory_space<vmem>>) semaphore(%arg8 : memref<!tpu.dma_semaphore, #tpu.memory_space<semaphore_mem>>)
      %dma_wait3A = arith.constant 0 : i32
      %dma_wait3A_427 = arith.constant 0 : i32
      %dma_wait3A_428 = arith.constant 0 : i32
      %dma_wait3A_429 = arith.constant 0 : i32
      %dma_wait3A_430 = tpu.memref_slice %arg6[%dma_wait3A_428, %dma_wait3A_429] : memref<3328x16xf32, #tpu.memory_space<vmem>> -> memref<128x16xf32, #tpu.memory_space<vmem>>
      %dma_wait3A_431 = tpu.memref_slice %arg5[%dma_wait3A_427, %mul3A_13] : memref<26x512xi32, #tpu.memory_space<vmem>> -> memref<1x128xi32, #tpu.memory_space<vmem>>
      %dma_wait3A_432 = tpu.memref_squeeze %dma_wait3A_431 : memref<1x128xi32, #tpu.memory_space<vmem>> -> memref<128xi32, #tpu.memory_space<vmem>>
      %dma_wait3A_433 = arith.constant 0 : i32
      %dma_wait3A_434 = arith.constant 0 : i32
      %dma_wait3A_435 = tpu.memref_slice %arg2[%dma_wait3A, %dma_wait3A_433, %dma_wait3A_434] : memref<26x100000x16xf32, #tpu.memory_space<hbm>> -> memref<1x100000x16xf32, #tpu.memory_space<hbm>>
      %dma_wait3A_436 = tpu.memref_squeeze %dma_wait3A_435 : memref<1x100000x16xf32, #tpu.memory_space<hbm>> -> memref<100000x16xf32, #tpu.memory_space<hbm>>
      %dma_wait3A_437 = arith.constant 0 : i32
      %dma_wait3A_438 = arith.constant 0 : i32
      %dma_wait3A_439 = tpu.memref_slice %dma_wait3A_436[%dma_wait3A_437, %dma_wait3A_438] : memref<100000x16xf32, #tpu.memory_space<hbm>> -> memref<100000x16xf32, #tpu.memory_space<hbm>>
      tpu.wait_indirect_dma semaphore(%arg8 : memref<!tpu.dma_semaphore, #tpu.memory_space<semaphore_mem>>) src(%dma_wait3A_439 : memref<100000x16xf32, #tpu.memory_space<hbm>>) dst(%dma_wait3A_430 : memref<128x16xf32, #tpu.memory_space<vmem>>)
      %dma_wait3A_440 = arith.constant 1 : i32
      %dma_wait3A_441 = arith.constant 1 : i32
      %dma_wait3A_442 = arith.constant 128 : i32
      %dma_wait3A_443 = arith.constant 0 : i32
      %dma_wait3A_444 = tpu.memref_slice %arg6[%dma_wait3A_442, %dma_wait3A_443] : memref<3328x16xf32, #tpu.memory_space<vmem>> -> memref<128x16xf32, #tpu.memory_space<vmem>>
      %dma_wait3A_445 = tpu.memref_slice %arg5[%dma_wait3A_441, %mul3A_28] : memref<26x512xi32, #tpu.memory_space<vmem>> -> memref<1x128xi32, #tpu.memory_space<vmem>>
      %dma_wait3A_446 = tpu.memref_squeeze %dma_wait3A_445 : memref<1x128xi32, #tpu.memory_space<vmem>> -> memref<128xi32, #tpu.memory_space<vmem>>
      %dma_wait3A_447 = arith.constant 0 : i32
      %dma_wait3A_448 = arith.constant 0 : i32
      %dma_wait3A_449 = tpu.memref_slice %arg2[%dma_wait3A_440, %dma_wait3A_447, %dma_wait3A_448] : memref<26x100000x16xf32, #tpu.memory_space<hbm>> -> memref<1x100000x16xf32, #tpu.memory_space<hbm>>
      %dma_wait3A_450 = tpu.memref_squeeze %dma_wait3A_449 : memref<1x100000x16xf32, #tpu.memory_space<hbm>> -> memref<100000x16xf32, #tpu.memory_space<hbm>>
      %dma_wait3A_451 = arith.constant 0 : i32
      %dma_wait3A_452 = arith.constant 0 : i32
      %dma_wait3A_453 = tpu.memref_slice %dma_wait3A_450[%dma_wait3A_451, %dma_wait3A_452] : memref<100000x16xf32, #tpu.memory_space<hbm>> -> memref<100000x16xf32, #tpu.memory_space<hbm>>
      tpu.wait_indirect_dma semaphore(%arg8 : memref<!tpu.dma_semaphore, #tpu.memory_space<semaphore_mem>>) src(%dma_wait3A_453 : memref<100000x16xf32, #tpu.memory_space<hbm>>) dst(%dma_wait3A_444 : memref<128x16xf32, #tpu.memory_space<vmem>>)
      %dma_wait3A_454 = arith.constant 2 : i32
      %dma_wait3A_455 = arith.constant 2 : i32
      %dma_wait3A_456 = arith.constant 256 : i32
      %dma_wait3A_457 = arith.constant 0 : i32
      %dma_wait3A_458 = tpu.memref_slice %arg6[%dma_wait3A_456, %dma_wait3A_457] : memref<3328x16xf32, #tpu.memory_space<vmem>> -> memref<128x16xf32, #tpu.memory_space<vmem>>
      %dma_wait3A_459 = tpu.memref_slice %arg5[%dma_wait3A_455, %mul3A_44] : memref<26x512xi32, #tpu.memory_space<vmem>> -> memref<1x128xi32, #tpu.memory_space<vmem>>
      %dma_wait3A_460 = tpu.memref_squeeze %dma_wait3A_459 : memref<1x128xi32, #tpu.memory_space<vmem>> -> memref<128xi32, #tpu.memory_space<vmem>>
      %dma_wait3A_461 = arith.constant 0 : i32
      %dma_wait3A_462 = arith.constant 0 : i32
      %dma_wait3A_463 = tpu.memref_slice %arg2[%dma_wait3A_454, %dma_wait3A_461, %dma_wait3A_462] : memref<26x100000x16xf32, #tpu.memory_space<hbm>> -> memref<1x100000x16xf32, #tpu.memory_space<hbm>>
      %dma_wait3A_464 = tpu.memref_squeeze %dma_wait3A_463 : memref<1x100000x16xf32, #tpu.memory_space<hbm>> -> memref<100000x16xf32, #tpu.memory_space<hbm>>
      %dma_wait3A_465 = arith.constant 0 : i32
      %dma_wait3A_466 = arith.constant 0 : i32
      %dma_wait3A_467 = tpu.memref_slice %dma_wait3A_464[%dma_wait3A_465, %dma_wait3A_466] : memref<100000x16xf32, #tpu.memory_space<hbm>> -> memref<100000x16xf32, #tpu.memory_space<hbm>>
      tpu.wait_indirect_dma semaphore(%arg8 : memref<!tpu.dma_semaphore, #tpu.memory_space<semaphore_mem>>) src(%dma_wait3A_467 : memref<100000x16xf32, #tpu.memory_space<hbm>>) dst(%dma_wait3A_458 : memref<128x16xf32, #tpu.memory_space<vmem>>)
      %dma_wait3A_468 = arith.constant 3 : i32
      %dma_wait3A_469 = arith.constant 3 : i32
      %dma_wait3A_470 = arith.constant 384 : i32
      %dma_wait3A_471 = arith.constant 0 : i32
      %dma_wait3A_472 = tpu.memref_slice %arg6[%dma_wait3A_470, %dma_wait3A_471] : memref<3328x16xf32, #tpu.memory_space<vmem>> -> memref<128x16xf32, #tpu.memory_space<vmem>>
      %dma_wait3A_473 = tpu.memref_slice %arg5[%dma_wait3A_469, %mul3A_60] : memref<26x512xi32, #tpu.memory_space<vmem>> -> memref<1x128xi32, #tpu.memory_space<vmem>>
      %dma_wait3A_474 = tpu.memref_squeeze %dma_wait3A_473 : memref<1x128xi32, #tpu.memory_space<vmem>> -> memref<128xi32, #tpu.memory_space<vmem>>
      %dma_wait3A_475 = arith.constant 0 : i32
      %dma_wait3A_476 = arith.constant 0 : i32
      %dma_wait3A_477 = tpu.memref_slice %arg2[%dma_wait3A_468, %dma_wait3A_475, %dma_wait3A_476] : memref<26x100000x16xf32, #tpu.memory_space<hbm>> -> memref<1x100000x16xf32, #tpu.memory_space<hbm>>
      %dma_wait3A_478 = tpu.memref_squeeze %dma_wait3A_477 : memref<1x100000x16xf32, #tpu.memory_space<hbm>> -> memref<100000x16xf32, #tpu.memory_space<hbm>>
      %dma_wait3A_479 = arith.constant 0 : i32
      %dma_wait3A_480 = arith.constant 0 : i32
      %dma_wait3A_481 = tpu.memref_slice %dma_wait3A_478[%dma_wait3A_479, %dma_wait3A_480] : memref<100000x16xf32, #tpu.memory_space<hbm>> -> memref<100000x16xf32, #tpu.memory_space<hbm>>
      tpu.wait_indirect_dma semaphore(%arg8 : memref<!tpu.dma_semaphore, #tpu.memory_space<semaphore_mem>>) src(%dma_wait3A_481 : memref<100000x16xf32, #tpu.memory_space<hbm>>) dst(%dma_wait3A_472 : memref<128x16xf32, #tpu.memory_space<vmem>>)
      %dma_wait3A_482 = arith.constant 4 : i32
      %dma_wait3A_483 = arith.constant 4 : i32
      %dma_wait3A_484 = arith.constant 512 : i32
      %dma_wait3A_485 = arith.constant 0 : i32
      %dma_wait3A_486 = tpu.memref_slice %arg6[%dma_wait3A_484, %dma_wait3A_485] : memref<3328x16xf32, #tpu.memory_space<vmem>> -> memref<128x16xf32, #tpu.memory_space<vmem>>
      %dma_wait3A_487 = tpu.memref_slice %arg5[%dma_wait3A_483, %mul3A_76] : memref<26x512xi32, #tpu.memory_space<vmem>> -> memref<1x128xi32, #tpu.memory_space<vmem>>
      %dma_wait3A_488 = tpu.memref_squeeze %dma_wait3A_487 : memref<1x128xi32, #tpu.memory_space<vmem>> -> memref<128xi32, #tpu.memory_space<vmem>>
      %dma_wait3A_489 = arith.constant 0 : i32
      %dma_wait3A_490 = arith.constant 0 : i32
      %dma_wait3A_491 = tpu.memref_slice %arg2[%dma_wait3A_482, %dma_wait3A_489, %dma_wait3A_490] : memref<26x100000x16xf32, #tpu.memory_space<hbm>> -> memref<1x100000x16xf32, #tpu.memory_space<hbm>>
      %dma_wait3A_492 = tpu.memref_squeeze %dma_wait3A_491 : memref<1x100000x16xf32, #tpu.memory_space<hbm>> -> memref<100000x16xf32, #tpu.memory_space<hbm>>
      %dma_wait3A_493 = arith.constant 0 : i32
      %dma_wait3A_494 = arith.constant 0 : i32
      %dma_wait3A_495 = tpu.memref_slice %dma_wait3A_492[%dma_wait3A_493, %dma_wait3A_494] : memref<100000x16xf32, #tpu.memory_space<hbm>> -> memref<100000x16xf32, #tpu.memory_space<hbm>>
      tpu.wait_indirect_dma semaphore(%arg8 : memref<!tpu.dma_semaphore, #tpu.memory_space<semaphore_mem>>) src(%dma_wait3A_495 : memref<100000x16xf32, #tpu.memory_space<hbm>>) dst(%dma_wait3A_486 : memref<128x16xf32, #tpu.memory_space<vmem>>)
      %dma_wait3A_496 = arith.constant 5 : i32
      %dma_wait3A_497 = arith.constant 5 : i32
      %dma_wait3A_498 = arith.constant 640 : i32
      %dma_wait3A_499 = arith.constant 0 : i32
      %dma_wait3A_500 = tpu.memref_slice %arg6[%dma_wait3A_498, %dma_wait3A_499] : memref<3328x16xf32, #tpu.memory_space<vmem>> -> memref<128x16xf32, #tpu.memory_space<vmem>>
      %dma_wait3A_501 = tpu.memref_slice %arg5[%dma_wait3A_497, %mul3A_92] : memref<26x512xi32, #tpu.memory_space<vmem>> -> memref<1x128xi32, #tpu.memory_space<vmem>>
      %dma_wait3A_502 = tpu.memref_squeeze %dma_wait3A_501 : memref<1x128xi32, #tpu.memory_space<vmem>> -> memref<128xi32, #tpu.memory_space<vmem>>
      %dma_wait3A_503 = arith.constant 0 : i32
      %dma_wait3A_504 = arith.constant 0 : i32
      %dma_wait3A_505 = tpu.memref_slice %arg2[%dma_wait3A_496, %dma_wait3A_503, %dma_wait3A_504] : memref<26x100000x16xf32, #tpu.memory_space<hbm>> -> memref<1x100000x16xf32, #tpu.memory_space<hbm>>
      %dma_wait3A_506 = tpu.memref_squeeze %dma_wait3A_505 : memref<1x100000x16xf32, #tpu.memory_space<hbm>> -> memref<100000x16xf32, #tpu.memory_space<hbm>>
      %dma_wait3A_507 = arith.constant 0 : i32
      %dma_wait3A_508 = arith.constant 0 : i32
      %dma_wait3A_509 = tpu.memref_slice %dma_wait3A_506[%dma_wait3A_507, %dma_wait3A_508] : memref<100000x16xf32, #tpu.memory_space<hbm>> -> memref<100000x16xf32, #tpu.memory_space<hbm>>
      tpu.wait_indirect_dma semaphore(%arg8 : memref<!tpu.dma_semaphore, #tpu.memory_space<semaphore_mem>>) src(%dma_wait3A_509 : memref<100000x16xf32, #tpu.memory_space<hbm>>) dst(%dma_wait3A_500 : memref<128x16xf32, #tpu.memory_space<vmem>>)
      %dma_wait3A_510 = arith.constant 6 : i32
      %dma_wait3A_511 = arith.constant 6 : i32
      %dma_wait3A_512 = arith.constant 768 : i32
      %dma_wait3A_513 = arith.constant 0 : i32
      %dma_wait3A_514 = tpu.memref_slice %arg6[%dma_wait3A_512, %dma_wait3A_513] : memref<3328x16xf32, #tpu.memory_space<vmem>> -> memref<128x16xf32, #tpu.memory_space<vmem>>
      %dma_wait3A_515 = tpu.memref_slice %arg5[%dma_wait3A_511, %mul3A_108] : memref<26x512xi32, #tpu.memory_space<vmem>> -> memref<1x128xi32, #tpu.memory_space<vmem>>
      %dma_wait3A_516 = tpu.memref_squeeze %dma_wait3A_515 : memref<1x128xi32, #tpu.memory_space<vmem>> -> memref<128xi32, #tpu.memory_space<vmem>>
      %dma_wait3A_517 = arith.constant 0 : i32
      %dma_wait3A_518 = arith.constant 0 : i32
      %dma_wait3A_519 = tpu.memref_slice %arg2[%dma_wait3A_510, %dma_wait3A_517, %dma_wait3A_518] : memref<26x100000x16xf32, #tpu.memory_space<hbm>> -> memref<1x100000x16xf32, #tpu.memory_space<hbm>>
      %dma_wait3A_520 = tpu.memref_squeeze %dma_wait3A_519 : memref<1x100000x16xf32, #tpu.memory_space<hbm>> -> memref<100000x16xf32, #tpu.memory_space<hbm>>
      %dma_wait3A_521 = arith.constant 0 : i32
      %dma_wait3A_522 = arith.constant 0 : i32
      %dma_wait3A_523 = tpu.memref_slice %dma_wait3A_520[%dma_wait3A_521, %dma_wait3A_522] : memref<100000x16xf32, #tpu.memory_space<hbm>> -> memref<100000x16xf32, #tpu.memory_space<hbm>>
      tpu.wait_indirect_dma semaphore(%arg8 : memref<!tpu.dma_semaphore, #tpu.memory_space<semaphore_mem>>) src(%dma_wait3A_523 : memref<100000x16xf32, #tpu.memory_space<hbm>>) dst(%dma_wait3A_514 : memref<128x16xf32, #tpu.memory_space<vmem>>)
      %dma_wait3A_524 = arith.constant 7 : i32
      %dma_wait3A_525 = arith.constant 7 : i32
      %dma_wait3A_526 = arith.constant 896 : i32
      %dma_wait3A_527 = arith.constant 0 : i32
      %dma_wait3A_528 = tpu.memref_slice %arg6[%dma_wait3A_526, %dma_wait3A_527] : memref<3328x16xf32, #tpu.memory_space<vmem>> -> memref<128x16xf32, #tpu.memory_space<vmem>>
      %dma_wait3A_529 = tpu.memref_slice %arg5[%dma_wait3A_525, %mul3A_124] : memref<26x512xi32, #tpu.memory_space<vmem>> -> memref<1x128xi32, #tpu.memory_space<vmem>>
      %dma_wait3A_530 = tpu.memref_squeeze %dma_wait3A_529 : memref<1x128xi32, #tpu.memory_space<vmem>> -> memref<128xi32, #tpu.memory_space<vmem>>
      %dma_wait3A_531 = arith.constant 0 : i32
      %dma_wait3A_532 = arith.constant 0 : i32
      %dma_wait3A_533 = tpu.memref_slice %arg2[%dma_wait3A_524, %dma_wait3A_531, %dma_wait3A_532] : memref<26x100000x16xf32, #tpu.memory_space<hbm>> -> memref<1x100000x16xf32, #tpu.memory_space<hbm>>
      %dma_wait3A_534 = tpu.memref_squeeze %dma_wait3A_533 : memref<1x100000x16xf32, #tpu.memory_space<hbm>> -> memref<100000x16xf32, #tpu.memory_space<hbm>>
      %dma_wait3A_535 = arith.constant 0 : i32
      %dma_wait3A_536 = arith.constant 0 : i32
      %dma_wait3A_537 = tpu.memref_slice %dma_wait3A_534[%dma_wait3A_535, %dma_wait3A_536] : memref<100000x16xf32, #tpu.memory_space<hbm>> -> memref<100000x16xf32, #tpu.memory_space<hbm>>
      tpu.wait_indirect_dma semaphore(%arg8 : memref<!tpu.dma_semaphore, #tpu.memory_space<semaphore_mem>>) src(%dma_wait3A_537 : memref<100000x16xf32, #tpu.memory_space<hbm>>) dst(%dma_wait3A_528 : memref<128x16xf32, #tpu.memory_space<vmem>>)
      %dma_wait3A_538 = arith.constant 8 : i32
      %dma_wait3A_539 = arith.constant 8 : i32
      %dma_wait3A_540 = arith.constant 1024 : i32
      %dma_wait3A_541 = arith.constant 0 : i32
      %dma_wait3A_542 = tpu.memref_slice %arg6[%dma_wait3A_540, %dma_wait3A_541] : memref<3328x16xf32, #tpu.memory_space<vmem>> -> memref<128x16xf32, #tpu.memory_space<vmem>>
      %dma_wait3A_543 = tpu.memref_slice %arg5[%dma_wait3A_539, %mul3A_140] : memref<26x512xi32, #tpu.memory_space<vmem>> -> memref<1x128xi32, #tpu.memory_space<vmem>>
      %dma_wait3A_544 = tpu.memref_squeeze %dma_wait3A_543 : memref<1x128xi32, #tpu.memory_space<vmem>> -> memref<128xi32, #tpu.memory_space<vmem>>
      %dma_wait3A_545 = arith.constant 0 : i32
      %dma_wait3A_546 = arith.constant 0 : i32
      %dma_wait3A_547 = tpu.memref_slice %arg2[%dma_wait3A_538, %dma_wait3A_545, %dma_wait3A_546] : memref<26x100000x16xf32, #tpu.memory_space<hbm>> -> memref<1x100000x16xf32, #tpu.memory_space<hbm>>
      %dma_wait3A_548 = tpu.memref_squeeze %dma_wait3A_547 : memref<1x100000x16xf32, #tpu.memory_space<hbm>> -> memref<100000x16xf32, #tpu.memory_space<hbm>>
      %dma_wait3A_549 = arith.constant 0 : i32
      %dma_wait3A_550 = arith.constant 0 : i32
      %dma_wait3A_551 = tpu.memref_slice %dma_wait3A_548[%dma_wait3A_549, %dma_wait3A_550] : memref<100000x16xf32, #tpu.memory_space<hbm>> -> memref<100000x16xf32, #tpu.memory_space<hbm>>
      tpu.wait_indirect_dma semaphore(%arg8 : memref<!tpu.dma_semaphore, #tpu.memory_space<semaphore_mem>>) src(%dma_wait3A_551 : memref<100000x16xf32, #tpu.memory_space<hbm>>) dst(%dma_wait3A_542 : memref<128x16xf32, #tpu.memory_space<vmem>>)
      %dma_wait3A_552 = arith.constant 9 : i32
      %dma_wait3A_553 = arith.constant 9 : i32
      %dma_wait3A_554 = arith.constant 1152 : i32
      %dma_wait3A_555 = arith.constant 0 : i32
      %dma_wait3A_556 = tpu.memref_slice %arg6[%dma_wait3A_554, %dma_wait3A_555] : memref<3328x16xf32, #tpu.memory_space<vmem>> -> memref<128x16xf32, #tpu.memory_space<vmem>>
      %dma_wait3A_557 = tpu.memref_slice %arg5[%dma_wait3A_553, %mul3A_156] : memref<26x512xi32, #tpu.memory_space<vmem>> -> memref<1x128xi32, #tpu.memory_space<vmem>>
      %dma_wait3A_558 = tpu.memref_squeeze %dma_wait3A_557 : memref<1x128xi32, #tpu.memory_space<vmem>> -> memref<128xi32, #tpu.memory_space<vmem>>
      %dma_wait3A_559 = arith.constant 0 : i32
      %dma_wait3A_560 = arith.constant 0 : i32
      %dma_wait3A_561 = tpu.memref_slice %arg2[%dma_wait3A_552, %dma_wait3A_559, %dma_wait3A_560] : memref<26x100000x16xf32, #tpu.memory_space<hbm>> -> memref<1x100000x16xf32, #tpu.memory_space<hbm>>
      %dma_wait3A_562 = tpu.memref_squeeze %dma_wait3A_561 : memref<1x100000x16xf32, #tpu.memory_space<hbm>> -> memref<100000x16xf32, #tpu.memory_space<hbm>>
      %dma_wait3A_563 = arith.constant 0 : i32
      %dma_wait3A_564 = arith.constant 0 : i32
      %dma_wait3A_565 = tpu.memref_slice %dma_wait3A_562[%dma_wait3A_563, %dma_wait3A_564] : memref<100000x16xf32, #tpu.memory_space<hbm>> -> memref<100000x16xf32, #tpu.memory_space<hbm>>
      tpu.wait_indirect_dma semaphore(%arg8 : memref<!tpu.dma_semaphore, #tpu.memory_space<semaphore_mem>>) src(%dma_wait3A_565 : memref<100000x16xf32, #tpu.memory_space<hbm>>) dst(%dma_wait3A_556 : memref<128x16xf32, #tpu.memory_space<vmem>>)
      %dma_wait3A_566 = arith.constant 10 : i32
      %dma_wait3A_567 = arith.constant 10 : i32
      %dma_wait3A_568 = arith.constant 1280 : i32
      %dma_wait3A_569 = arith.constant 0 : i32
      %dma_wait3A_570 = tpu.memref_slice %arg6[%dma_wait3A_568, %dma_wait3A_569] : memref<3328x16xf32, #tpu.memory_space<vmem>> -> memref<128x16xf32, #tpu.memory_space<vmem>>
      %dma_wait3A_571 = tpu.memref_slice %arg5[%dma_wait3A_567, %mul3A_172] : memref<26x512xi32, #tpu.memory_space<vmem>> -> memref<1x128xi32, #tpu.memory_space<vmem>>
      %dma_wait3A_572 = tpu.memref_squeeze %dma_wait3A_571 : memref<1x128xi32, #tpu.memory_space<vmem>> -> memref<128xi32, #tpu.memory_space<vmem>>
      %dma_wait3A_573 = arith.constant 0 : i32
      %dma_wait3A_574 = arith.constant 0 : i32
      %dma_wait3A_575 = tpu.memref_slice %arg2[%dma_wait3A_566, %dma_wait3A_573, %dma_wait3A_574] : memref<26x100000x16xf32, #tpu.memory_space<hbm>> -> memref<1x100000x16xf32, #tpu.memory_space<hbm>>
      %dma_wait3A_576 = tpu.memref_squeeze %dma_wait3A_575 : memref<1x100000x16xf32, #tpu.memory_space<hbm>> -> memref<100000x16xf32, #tpu.memory_space<hbm>>
      %dma_wait3A_577 = arith.constant 0 : i32
      %dma_wait3A_578 = arith.constant 0 : i32
      %dma_wait3A_579 = tpu.memref_slice %dma_wait3A_576[%dma_wait3A_577, %dma_wait3A_578] : memref<100000x16xf32, #tpu.memory_space<hbm>> -> memref<100000x16xf32, #tpu.memory_space<hbm>>
      tpu.wait_indirect_dma semaphore(%arg8 : memref<!tpu.dma_semaphore, #tpu.memory_space<semaphore_mem>>) src(%dma_wait3A_579 : memref<100000x16xf32, #tpu.memory_space<hbm>>) dst(%dma_wait3A_570 : memref<128x16xf32, #tpu.memory_space<vmem>>)
      %dma_wait3A_580 = arith.constant 11 : i32
      %dma_wait3A_581 = arith.constant 11 : i32
      %dma_wait3A_582 = arith.constant 1408 : i32
      %dma_wait3A_583 = arith.constant 0 : i32
      %dma_wait3A_584 = tpu.memref_slice %arg6[%dma_wait3A_582, %dma_wait3A_583] : memref<3328x16xf32, #tpu.memory_space<vmem>> -> memref<128x16xf32, #tpu.memory_space<vmem>>
      %dma_wait3A_585 = tpu.memref_slice %arg5[%dma_wait3A_581, %mul3A_188] : memref<26x512xi32, #tpu.memory_space<vmem>> -> memref<1x128xi32, #tpu.memory_space<vmem>>
      %dma_wait3A_586 = tpu.memref_squeeze %dma_wait3A_585 : memref<1x128xi32, #tpu.memory_space<vmem>> -> memref<128xi32, #tpu.memory_space<vmem>>
      %dma_wait3A_587 = arith.constant 0 : i32
      %dma_wait3A_588 = arith.constant 0 : i32
      %dma_wait3A_589 = tpu.memref_slice %arg2[%dma_wait3A_580, %dma_wait3A_587, %dma_wait3A_588] : memref<26x100000x16xf32, #tpu.memory_space<hbm>> -> memref<1x100000x16xf32, #tpu.memory_space<hbm>>
      %dma_wait3A_590 = tpu.memref_squeeze %dma_wait3A_589 : memref<1x100000x16xf32, #tpu.memory_space<hbm>> -> memref<100000x16xf32, #tpu.memory_space<hbm>>
      %dma_wait3A_591 = arith.constant 0 : i32
      %dma_wait3A_592 = arith.constant 0 : i32
      %dma_wait3A_593 = tpu.memref_slice %dma_wait3A_590[%dma_wait3A_591, %dma_wait3A_592] : memref<100000x16xf32, #tpu.memory_space<hbm>> -> memref<100000x16xf32, #tpu.memory_space<hbm>>
      tpu.wait_indirect_dma semaphore(%arg8 : memref<!tpu.dma_semaphore, #tpu.memory_space<semaphore_mem>>) src(%dma_wait3A_593 : memref<100000x16xf32, #tpu.memory_space<hbm>>) dst(%dma_wait3A_584 : memref<128x16xf32, #tpu.memory_space<vmem>>)
      %dma_wait3A_594 = arith.constant 12 : i32
      %dma_wait3A_595 = arith.constant 12 : i32
      %dma_wait3A_596 = arith.constant 1536 : i32
      %dma_wait3A_597 = arith.constant 0 : i32
      %dma_wait3A_598 = tpu.memref_slice %arg6[%dma_wait3A_596, %dma_wait3A_597] : memref<3328x16xf32, #tpu.memory_space<vmem>> -> memref<128x16xf32, #tpu.memory_space<vmem>>
      %dma_wait3A_599 = tpu.memref_slice %arg5[%dma_wait3A_595, %mul3A_204] : memref<26x512xi32, #tpu.memory_space<vmem>> -> memref<1x128xi32, #tpu.memory_space<vmem>>
      %dma_wait3A_600 = tpu.memref_squeeze %dma_wait3A_599 : memref<1x128xi32, #tpu.memory_space<vmem>> -> memref<128xi32, #tpu.memory_space<vmem>>
      %dma_wait3A_601 = arith.constant 0 : i32
      %dma_wait3A_602 = arith.constant 0 : i32
      %dma_wait3A_603 = tpu.memref_slice %arg2[%dma_wait3A_594, %dma_wait3A_601, %dma_wait3A_602] : memref<26x100000x16xf32, #tpu.memory_space<hbm>> -> memref<1x100000x16xf32, #tpu.memory_space<hbm>>
      %dma_wait3A_604 = tpu.memref_squeeze %dma_wait3A_603 : memref<1x100000x16xf32, #tpu.memory_space<hbm>> -> memref<100000x16xf32, #tpu.memory_space<hbm>>
      %dma_wait3A_605 = arith.constant 0 : i32
      %dma_wait3A_606 = arith.constant 0 : i32
      %dma_wait3A_607 = tpu.memref_slice %dma_wait3A_604[%dma_wait3A_605, %dma_wait3A_606] : memref<100000x16xf32, #tpu.memory_space<hbm>> -> memref<100000x16xf32, #tpu.memory_space<hbm>>
      tpu.wait_indirect_dma semaphore(%arg8 : memref<!tpu.dma_semaphore, #tpu.memory_space<semaphore_mem>>) src(%dma_wait3A_607 : memref<100000x16xf32, #tpu.memory_space<hbm>>) dst(%dma_wait3A_598 : memref<128x16xf32, #tpu.memory_space<vmem>>)
      %dma_wait3A_608 = arith.constant 13 : i32
      %dma_wait3A_609 = arith.constant 13 : i32
      %dma_wait3A_610 = arith.constant 1664 : i32
      %dma_wait3A_611 = arith.constant 0 : i32
      %dma_wait3A_612 = tpu.memref_slice %arg6[%dma_wait3A_610, %dma_wait3A_611] : memref<3328x16xf32, #tpu.memory_space<vmem>> -> memref<128x16xf32, #tpu.memory_space<vmem>>
      %dma_wait3A_613 = tpu.memref_slice %arg5[%dma_wait3A_609, %mul3A_220] : memref<26x512xi32, #tpu.memory_space<vmem>> -> memref<1x128xi32, #tpu.memory_space<vmem>>
      %dma_wait3A_614 = tpu.memref_squeeze %dma_wait3A_613 : memref<1x128xi32, #tpu.memory_space<vmem>> -> memref<128xi32, #tpu.memory_space<vmem>>
      %dma_wait3A_615 = arith.constant 0 : i32
      %dma_wait3A_616 = arith.constant 0 : i32
      %dma_wait3A_617 = tpu.memref_slice %arg2[%dma_wait3A_608, %dma_wait3A_615, %dma_wait3A_616] : memref<26x100000x16xf32, #tpu.memory_space<hbm>> -> memref<1x100000x16xf32, #tpu.memory_space<hbm>>
      %dma_wait3A_618 = tpu.memref_squeeze %dma_wait3A_617 : memref<1x100000x16xf32, #tpu.memory_space<hbm>> -> memref<100000x16xf32, #tpu.memory_space<hbm>>
      %dma_wait3A_619 = arith.constant 0 : i32
      %dma_wait3A_620 = arith.constant 0 : i32
      %dma_wait3A_621 = tpu.memref_slice %dma_wait3A_618[%dma_wait3A_619, %dma_wait3A_620] : memref<100000x16xf32, #tpu.memory_space<hbm>> -> memref<100000x16xf32, #tpu.memory_space<hbm>>
      tpu.wait_indirect_dma semaphore(%arg8 : memref<!tpu.dma_semaphore, #tpu.memory_space<semaphore_mem>>) src(%dma_wait3A_621 : memref<100000x16xf32, #tpu.memory_space<hbm>>) dst(%dma_wait3A_612 : memref<128x16xf32, #tpu.memory_space<vmem>>)
      %dma_wait3A_622 = arith.constant 14 : i32
      %dma_wait3A_623 = arith.constant 14 : i32
      %dma_wait3A_624 = arith.constant 1792 : i32
      %dma_wait3A_625 = arith.constant 0 : i32
      %dma_wait3A_626 = tpu.memref_slice %arg6[%dma_wait3A_624, %dma_wait3A_625] : memref<3328x16xf32, #tpu.memory_space<vmem>> -> memref<128x16xf32, #tpu.memory_space<vmem>>
      %dma_wait3A_627 = tpu.memref_slice %arg5[%dma_wait3A_623, %mul3A_236] : memref<26x512xi32, #tpu.memory_space<vmem>> -> memref<1x128xi32, #tpu.memory_space<vmem>>
      %dma_wait3A_628 = tpu.memref_squeeze %dma_wait3A_627 : memref<1x128xi32, #tpu.memory_space<vmem>> -> memref<128xi32, #tpu.memory_space<vmem>>
      %dma_wait3A_629 = arith.constant 0 : i32
      %dma_wait3A_630 = arith.constant 0 : i32
      %dma_wait3A_631 = tpu.memref_slice %arg2[%dma_wait3A_622, %dma_wait3A_629, %dma_wait3A_630] : memref<26x100000x16xf32, #tpu.memory_space<hbm>> -> memref<1x100000x16xf32, #tpu.memory_space<hbm>>
      %dma_wait3A_632 = tpu.memref_squeeze %dma_wait3A_631 : memref<1x100000x16xf32, #tpu.memory_space<hbm>> -> memref<100000x16xf32, #tpu.memory_space<hbm>>
      %dma_wait3A_633 = arith.constant 0 : i32
      %dma_wait3A_634 = arith.constant 0 : i32
      %dma_wait3A_635 = tpu.memref_slice %dma_wait3A_632[%dma_wait3A_633, %dma_wait3A_634] : memref<100000x16xf32, #tpu.memory_space<hbm>> -> memref<100000x16xf32, #tpu.memory_space<hbm>>
      tpu.wait_indirect_dma semaphore(%arg8 : memref<!tpu.dma_semaphore, #tpu.memory_space<semaphore_mem>>) src(%dma_wait3A_635 : memref<100000x16xf32, #tpu.memory_space<hbm>>) dst(%dma_wait3A_626 : memref<128x16xf32, #tpu.memory_space<vmem>>)
      %dma_wait3A_636 = arith.constant 15 : i32
      %dma_wait3A_637 = arith.constant 15 : i32
      %dma_wait3A_638 = arith.constant 1920 : i32
      %dma_wait3A_639 = arith.constant 0 : i32
      %dma_wait3A_640 = tpu.memref_slice %arg6[%dma_wait3A_638, %dma_wait3A_639] : memref<3328x16xf32, #tpu.memory_space<vmem>> -> memref<128x16xf32, #tpu.memory_space<vmem>>
      %dma_wait3A_641 = tpu.memref_slice %arg5[%dma_wait3A_637, %mul3A_252] : memref<26x512xi32, #tpu.memory_space<vmem>> -> memref<1x128xi32, #tpu.memory_space<vmem>>
      %dma_wait3A_642 = tpu.memref_squeeze %dma_wait3A_641 : memref<1x128xi32, #tpu.memory_space<vmem>> -> memref<128xi32, #tpu.memory_space<vmem>>
      %dma_wait3A_643 = arith.constant 0 : i32
      %dma_wait3A_644 = arith.constant 0 : i32
      %dma_wait3A_645 = tpu.memref_slice %arg2[%dma_wait3A_636, %dma_wait3A_643, %dma_wait3A_644] : memref<26x100000x16xf32, #tpu.memory_space<hbm>> -> memref<1x100000x16xf32, #tpu.memory_space<hbm>>
      %dma_wait3A_646 = tpu.memref_squeeze %dma_wait3A_645 : memref<1x100000x16xf32, #tpu.memory_space<hbm>> -> memref<100000x16xf32, #tpu.memory_space<hbm>>
      %dma_wait3A_647 = arith.constant 0 : i32
      %dma_wait3A_648 = arith.constant 0 : i32
      %dma_wait3A_649 = tpu.memref_slice %dma_wait3A_646[%dma_wait3A_647, %dma_wait3A_648] : memref<100000x16xf32, #tpu.memory_space<hbm>> -> memref<100000x16xf32, #tpu.memory_space<hbm>>
      tpu.wait_indirect_dma semaphore(%arg8 : memref<!tpu.dma_semaphore, #tpu.memory_space<semaphore_mem>>) src(%dma_wait3A_649 : memref<100000x16xf32, #tpu.memory_space<hbm>>) dst(%dma_wait3A_640 : memref<128x16xf32, #tpu.memory_space<vmem>>)
      %dma_wait3A_650 = arith.constant 16 : i32
      %dma_wait3A_651 = arith.constant 16 : i32
      %dma_wait3A_652 = arith.constant 2048 : i32
      %dma_wait3A_653 = arith.constant 0 : i32
      %dma_wait3A_654 = tpu.memref_slice %arg6[%dma_wait3A_652, %dma_wait3A_653] : memref<3328x16xf32, #tpu.memory_space<vmem>> -> memref<128x16xf32, #tpu.memory_space<vmem>>
      %dma_wait3A_655 = tpu.memref_slice %arg5[%dma_wait3A_651, %mul3A_268] : memref<26x512xi32, #tpu.memory_space<vmem>> -> memref<1x128xi32, #tpu.memory_space<vmem>>
      %dma_wait3A_656 = tpu.memref_squeeze %dma_wait3A_655 : memref<1x128xi32, #tpu.memory_space<vmem>> -> memref<128xi32, #tpu.memory_space<vmem>>
      %dma_wait3A_657 = arith.constant 0 : i32
      %dma_wait3A_658 = arith.constant 0 : i32
      %dma_wait3A_659 = tpu.memref_slice %arg2[%dma_wait3A_650, %dma_wait3A_657, %dma_wait3A_658] : memref<26x100000x16xf32, #tpu.memory_space<hbm>> -> memref<1x100000x16xf32, #tpu.memory_space<hbm>>
      %dma_wait3A_660 = tpu.memref_squeeze %dma_wait3A_659 : memref<1x100000x16xf32, #tpu.memory_space<hbm>> -> memref<100000x16xf32, #tpu.memory_space<hbm>>
      %dma_wait3A_661 = arith.constant 0 : i32
      %dma_wait3A_662 = arith.constant 0 : i32
      %dma_wait3A_663 = tpu.memref_slice %dma_wait3A_660[%dma_wait3A_661, %dma_wait3A_662] : memref<100000x16xf32, #tpu.memory_space<hbm>> -> memref<100000x16xf32, #tpu.memory_space<hbm>>
      tpu.wait_indirect_dma semaphore(%arg8 : memref<!tpu.dma_semaphore, #tpu.memory_space<semaphore_mem>>) src(%dma_wait3A_663 : memref<100000x16xf32, #tpu.memory_space<hbm>>) dst(%dma_wait3A_654 : memref<128x16xf32, #tpu.memory_space<vmem>>)
      %dma_wait3A_664 = arith.constant 17 : i32
      %dma_wait3A_665 = arith.constant 17 : i32
      %dma_wait3A_666 = arith.constant 2176 : i32
      %dma_wait3A_667 = arith.constant 0 : i32
      %dma_wait3A_668 = tpu.memref_slice %arg6[%dma_wait3A_666, %dma_wait3A_667] : memref<3328x16xf32, #tpu.memory_space<vmem>> -> memref<128x16xf32, #tpu.memory_space<vmem>>
      %dma_wait3A_669 = tpu.memref_slice %arg5[%dma_wait3A_665, %mul3A_284] : memref<26x512xi32, #tpu.memory_space<vmem>> -> memref<1x128xi32, #tpu.memory_space<vmem>>
      %dma_wait3A_670 = tpu.memref_squeeze %dma_wait3A_669 : memref<1x128xi32, #tpu.memory_space<vmem>> -> memref<128xi32, #tpu.memory_space<vmem>>
      %dma_wait3A_671 = arith.constant 0 : i32
      %dma_wait3A_672 = arith.constant 0 : i32
      %dma_wait3A_673 = tpu.memref_slice %arg2[%dma_wait3A_664, %dma_wait3A_671, %dma_wait3A_672] : memref<26x100000x16xf32, #tpu.memory_space<hbm>> -> memref<1x100000x16xf32, #tpu.memory_space<hbm>>
      %dma_wait3A_674 = tpu.memref_squeeze %dma_wait3A_673 : memref<1x100000x16xf32, #tpu.memory_space<hbm>> -> memref<100000x16xf32, #tpu.memory_space<hbm>>
      %dma_wait3A_675 = arith.constant 0 : i32
      %dma_wait3A_676 = arith.constant 0 : i32
      %dma_wait3A_677 = tpu.memref_slice %dma_wait3A_674[%dma_wait3A_675, %dma_wait3A_676] : memref<100000x16xf32, #tpu.memory_space<hbm>> -> memref<100000x16xf32, #tpu.memory_space<hbm>>
      tpu.wait_indirect_dma semaphore(%arg8 : memref<!tpu.dma_semaphore, #tpu.memory_space<semaphore_mem>>) src(%dma_wait3A_677 : memref<100000x16xf32, #tpu.memory_space<hbm>>) dst(%dma_wait3A_668 : memref<128x16xf32, #tpu.memory_space<vmem>>)
      %dma_wait3A_678 = arith.constant 18 : i32
      %dma_wait3A_679 = arith.constant 18 : i32
      %dma_wait3A_680 = arith.constant 2304 : i32
      %dma_wait3A_681 = arith.constant 0 : i32
      %dma_wait3A_682 = tpu.memref_slice %arg6[%dma_wait3A_680, %dma_wait3A_681] : memref<3328x16xf32, #tpu.memory_space<vmem>> -> memref<128x16xf32, #tpu.memory_space<vmem>>
      %dma_wait3A_683 = tpu.memref_slice %arg5[%dma_wait3A_679, %mul3A_300] : memref<26x512xi32, #tpu.memory_space<vmem>> -> memref<1x128xi32, #tpu.memory_space<vmem>>
      %dma_wait3A_684 = tpu.memref_squeeze %dma_wait3A_683 : memref<1x128xi32, #tpu.memory_space<vmem>> -> memref<128xi32, #tpu.memory_space<vmem>>
      %dma_wait3A_685 = arith.constant 0 : i32
      %dma_wait3A_686 = arith.constant 0 : i32
      %dma_wait3A_687 = tpu.memref_slice %arg2[%dma_wait3A_678, %dma_wait3A_685, %dma_wait3A_686] : memref<26x100000x16xf32, #tpu.memory_space<hbm>> -> memref<1x100000x16xf32, #tpu.memory_space<hbm>>
      %dma_wait3A_688 = tpu.memref_squeeze %dma_wait3A_687 : memref<1x100000x16xf32, #tpu.memory_space<hbm>> -> memref<100000x16xf32, #tpu.memory_space<hbm>>
      %dma_wait3A_689 = arith.constant 0 : i32
      %dma_wait3A_690 = arith.constant 0 : i32
      %dma_wait3A_691 = tpu.memref_slice %dma_wait3A_688[%dma_wait3A_689, %dma_wait3A_690] : memref<100000x16xf32, #tpu.memory_space<hbm>> -> memref<100000x16xf32, #tpu.memory_space<hbm>>
      tpu.wait_indirect_dma semaphore(%arg8 : memref<!tpu.dma_semaphore, #tpu.memory_space<semaphore_mem>>) src(%dma_wait3A_691 : memref<100000x16xf32, #tpu.memory_space<hbm>>) dst(%dma_wait3A_682 : memref<128x16xf32, #tpu.memory_space<vmem>>)
      %dma_wait3A_692 = arith.constant 19 : i32
      %dma_wait3A_693 = arith.constant 19 : i32
      %dma_wait3A_694 = arith.constant 2432 : i32
      %dma_wait3A_695 = arith.constant 0 : i32
      %dma_wait3A_696 = tpu.memref_slice %arg6[%dma_wait3A_694, %dma_wait3A_695] : memref<3328x16xf32, #tpu.memory_space<vmem>> -> memref<128x16xf32, #tpu.memory_space<vmem>>
      %dma_wait3A_697 = tpu.memref_slice %arg5[%dma_wait3A_693, %mul3A_316] : memref<26x512xi32, #tpu.memory_space<vmem>> -> memref<1x128xi32, #tpu.memory_space<vmem>>
      %dma_wait3A_698 = tpu.memref_squeeze %dma_wait3A_697 : memref<1x128xi32, #tpu.memory_space<vmem>> -> memref<128xi32, #tpu.memory_space<vmem>>
      %dma_wait3A_699 = arith.constant 0 : i32
      %dma_wait3A_700 = arith.constant 0 : i32
      %dma_wait3A_701 = tpu.memref_slice %arg2[%dma_wait3A_692, %dma_wait3A_699, %dma_wait3A_700] : memref<26x100000x16xf32, #tpu.memory_space<hbm>> -> memref<1x100000x16xf32, #tpu.memory_space<hbm>>
      %dma_wait3A_702 = tpu.memref_squeeze %dma_wait3A_701 : memref<1x100000x16xf32, #tpu.memory_space<hbm>> -> memref<100000x16xf32, #tpu.memory_space<hbm>>
      %dma_wait3A_703 = arith.constant 0 : i32
      %dma_wait3A_704 = arith.constant 0 : i32
      %dma_wait3A_705 = tpu.memref_slice %dma_wait3A_702[%dma_wait3A_703, %dma_wait3A_704] : memref<100000x16xf32, #tpu.memory_space<hbm>> -> memref<100000x16xf32, #tpu.memory_space<hbm>>
      tpu.wait_indirect_dma semaphore(%arg8 : memref<!tpu.dma_semaphore, #tpu.memory_space<semaphore_mem>>) src(%dma_wait3A_705 : memref<100000x16xf32, #tpu.memory_space<hbm>>) dst(%dma_wait3A_696 : memref<128x16xf32, #tpu.memory_space<vmem>>)
      %dma_wait3A_706 = arith.constant 20 : i32
      %dma_wait3A_707 = arith.constant 20 : i32
      %dma_wait3A_708 = arith.constant 2560 : i32
      %dma_wait3A_709 = arith.constant 0 : i32
      %dma_wait3A_710 = tpu.memref_slice %arg6[%dma_wait3A_708, %dma_wait3A_709] : memref<3328x16xf32, #tpu.memory_space<vmem>> -> memref<128x16xf32, #tpu.memory_space<vmem>>
      %dma_wait3A_711 = tpu.memref_slice %arg5[%dma_wait3A_707, %mul3A_332] : memref<26x512xi32, #tpu.memory_space<vmem>> -> memref<1x128xi32, #tpu.memory_space<vmem>>
      %dma_wait3A_712 = tpu.memref_squeeze %dma_wait3A_711 : memref<1x128xi32, #tpu.memory_space<vmem>> -> memref<128xi32, #tpu.memory_space<vmem>>
      %dma_wait3A_713 = arith.constant 0 : i32
      %dma_wait3A_714 = arith.constant 0 : i32
      %dma_wait3A_715 = tpu.memref_slice %arg2[%dma_wait3A_706, %dma_wait3A_713, %dma_wait3A_714] : memref<26x100000x16xf32, #tpu.memory_space<hbm>> -> memref<1x100000x16xf32, #tpu.memory_space<hbm>>
      %dma_wait3A_716 = tpu.memref_squeeze %dma_wait3A_715 : memref<1x100000x16xf32, #tpu.memory_space<hbm>> -> memref<100000x16xf32, #tpu.memory_space<hbm>>
      %dma_wait3A_717 = arith.constant 0 : i32
      %dma_wait3A_718 = arith.constant 0 : i32
      %dma_wait3A_719 = tpu.memref_slice %dma_wait3A_716[%dma_wait3A_717, %dma_wait3A_718] : memref<100000x16xf32, #tpu.memory_space<hbm>> -> memref<100000x16xf32, #tpu.memory_space<hbm>>
      tpu.wait_indirect_dma semaphore(%arg8 : memref<!tpu.dma_semaphore, #tpu.memory_space<semaphore_mem>>) src(%dma_wait3A_719 : memref<100000x16xf32, #tpu.memory_space<hbm>>) dst(%dma_wait3A_710 : memref<128x16xf32, #tpu.memory_space<vmem>>)
      %dma_wait3A_720 = arith.constant 21 : i32
      %dma_wait3A_721 = arith.constant 21 : i32
      %dma_wait3A_722 = arith.constant 2688 : i32
      %dma_wait3A_723 = arith.constant 0 : i32
      %dma_wait3A_724 = tpu.memref_slice %arg6[%dma_wait3A_722, %dma_wait3A_723] : memref<3328x16xf32, #tpu.memory_space<vmem>> -> memref<128x16xf32, #tpu.memory_space<vmem>>
      %dma_wait3A_725 = tpu.memref_slice %arg5[%dma_wait3A_721, %mul3A_348] : memref<26x512xi32, #tpu.memory_space<vmem>> -> memref<1x128xi32, #tpu.memory_space<vmem>>
      %dma_wait3A_726 = tpu.memref_squeeze %dma_wait3A_725 : memref<1x128xi32, #tpu.memory_space<vmem>> -> memref<128xi32, #tpu.memory_space<vmem>>
      %dma_wait3A_727 = arith.constant 0 : i32
      %dma_wait3A_728 = arith.constant 0 : i32
      %dma_wait3A_729 = tpu.memref_slice %arg2[%dma_wait3A_720, %dma_wait3A_727, %dma_wait3A_728] : memref<26x100000x16xf32, #tpu.memory_space<hbm>> -> memref<1x100000x16xf32, #tpu.memory_space<hbm>>
      %dma_wait3A_730 = tpu.memref_squeeze %dma_wait3A_729 : memref<1x100000x16xf32, #tpu.memory_space<hbm>> -> memref<100000x16xf32, #tpu.memory_space<hbm>>
      %dma_wait3A_731 = arith.constant 0 : i32
      %dma_wait3A_732 = arith.constant 0 : i32
      %dma_wait3A_733 = tpu.memref_slice %dma_wait3A_730[%dma_wait3A_731, %dma_wait3A_732] : memref<100000x16xf32, #tpu.memory_space<hbm>> -> memref<100000x16xf32, #tpu.memory_space<hbm>>
      tpu.wait_indirect_dma semaphore(%arg8 : memref<!tpu.dma_semaphore, #tpu.memory_space<semaphore_mem>>) src(%dma_wait3A_733 : memref<100000x16xf32, #tpu.memory_space<hbm>>) dst(%dma_wait3A_724 : memref<128x16xf32, #tpu.memory_space<vmem>>)
      %dma_wait3A_734 = arith.constant 22 : i32
      %dma_wait3A_735 = arith.constant 22 : i32
      %dma_wait3A_736 = arith.constant 2816 : i32
      %dma_wait3A_737 = arith.constant 0 : i32
      %dma_wait3A_738 = tpu.memref_slice %arg6[%dma_wait3A_736, %dma_wait3A_737] : memref<3328x16xf32, #tpu.memory_space<vmem>> -> memref<128x16xf32, #tpu.memory_space<vmem>>
      %dma_wait3A_739 = tpu.memref_slice %arg5[%dma_wait3A_735, %mul3A_364] : memref<26x512xi32, #tpu.memory_space<vmem>> -> memref<1x128xi32, #tpu.memory_space<vmem>>
      %dma_wait3A_740 = tpu.memref_squeeze %dma_wait3A_739 : memref<1x128xi32, #tpu.memory_space<vmem>> -> memref<128xi32, #tpu.memory_space<vmem>>
      %dma_wait3A_741 = arith.constant 0 : i32
      %dma_wait3A_742 = arith.constant 0 : i32
      %dma_wait3A_743 = tpu.memref_slice %arg2[%dma_wait3A_734, %dma_wait3A_741, %dma_wait3A_742] : memref<26x100000x16xf32, #tpu.memory_space<hbm>> -> memref<1x100000x16xf32, #tpu.memory_space<hbm>>
      %dma_wait3A_744 = tpu.memref_squeeze %dma_wait3A_743 : memref<1x100000x16xf32, #tpu.memory_space<hbm>> -> memref<100000x16xf32, #tpu.memory_space<hbm>>
      %dma_wait3A_745 = arith.constant 0 : i32
      %dma_wait3A_746 = arith.constant 0 : i32
      %dma_wait3A_747 = tpu.memref_slice %dma_wait3A_744[%dma_wait3A_745, %dma_wait3A_746] : memref<100000x16xf32, #tpu.memory_space<hbm>> -> memref<100000x16xf32, #tpu.memory_space<hbm>>
      tpu.wait_indirect_dma semaphore(%arg8 : memref<!tpu.dma_semaphore, #tpu.memory_space<semaphore_mem>>) src(%dma_wait3A_747 : memref<100000x16xf32, #tpu.memory_space<hbm>>) dst(%dma_wait3A_738 : memref<128x16xf32, #tpu.memory_space<vmem>>)
      %dma_wait3A_748 = arith.constant 23 : i32
      %dma_wait3A_749 = arith.constant 23 : i32
      %dma_wait3A_750 = arith.constant 2944 : i32
      %dma_wait3A_751 = arith.constant 0 : i32
      %dma_wait3A_752 = tpu.memref_slice %arg6[%dma_wait3A_750, %dma_wait3A_751] : memref<3328x16xf32, #tpu.memory_space<vmem>> -> memref<128x16xf32, #tpu.memory_space<vmem>>
      %dma_wait3A_753 = tpu.memref_slice %arg5[%dma_wait3A_749, %mul3A_380] : memref<26x512xi32, #tpu.memory_space<vmem>> -> memref<1x128xi32, #tpu.memory_space<vmem>>
      %dma_wait3A_754 = tpu.memref_squeeze %dma_wait3A_753 : memref<1x128xi32, #tpu.memory_space<vmem>> -> memref<128xi32, #tpu.memory_space<vmem>>
      %dma_wait3A_755 = arith.constant 0 : i32
      %dma_wait3A_756 = arith.constant 0 : i32
      %dma_wait3A_757 = tpu.memref_slice %arg2[%dma_wait3A_748, %dma_wait3A_755, %dma_wait3A_756] : memref<26x100000x16xf32, #tpu.memory_space<hbm>> -> memref<1x100000x16xf32, #tpu.memory_space<hbm>>
      %dma_wait3A_758 = tpu.memref_squeeze %dma_wait3A_757 : memref<1x100000x16xf32, #tpu.memory_space<hbm>> -> memref<100000x16xf32, #tpu.memory_space<hbm>>
      %dma_wait3A_759 = arith.constant 0 : i32
      %dma_wait3A_760 = arith.constant 0 : i32
      %dma_wait3A_761 = tpu.memref_slice %dma_wait3A_758[%dma_wait3A_759, %dma_wait3A_760] : memref<100000x16xf32, #tpu.memory_space<hbm>> -> memref<100000x16xf32, #tpu.memory_space<hbm>>
      tpu.wait_indirect_dma semaphore(%arg8 : memref<!tpu.dma_semaphore, #tpu.memory_space<semaphore_mem>>) src(%dma_wait3A_761 : memref<100000x16xf32, #tpu.memory_space<hbm>>) dst(%dma_wait3A_752 : memref<128x16xf32, #tpu.memory_space<vmem>>)
      %dma_wait3A_762 = arith.constant 24 : i32
      %dma_wait3A_763 = arith.constant 24 : i32
      %dma_wait3A_764 = arith.constant 3072 : i32
      %dma_wait3A_765 = arith.constant 0 : i32
      %dma_wait3A_766 = tpu.memref_slice %arg6[%dma_wait3A_764, %dma_wait3A_765] : memref<3328x16xf32, #tpu.memory_space<vmem>> -> memref<128x16xf32, #tpu.memory_space<vmem>>
      %dma_wait3A_767 = tpu.memref_slice %arg5[%dma_wait3A_763, %mul3A_396] : memref<26x512xi32, #tpu.memory_space<vmem>> -> memref<1x128xi32, #tpu.memory_space<vmem>>
      %dma_wait3A_768 = tpu.memref_squeeze %dma_wait3A_767 : memref<1x128xi32, #tpu.memory_space<vmem>> -> memref<128xi32, #tpu.memory_space<vmem>>
      %dma_wait3A_769 = arith.constant 0 : i32
      %dma_wait3A_770 = arith.constant 0 : i32
      %dma_wait3A_771 = tpu.memref_slice %arg2[%dma_wait3A_762, %dma_wait3A_769, %dma_wait3A_770] : memref<26x100000x16xf32, #tpu.memory_space<hbm>> -> memref<1x100000x16xf32, #tpu.memory_space<hbm>>
      %dma_wait3A_772 = tpu.memref_squeeze %dma_wait3A_771 : memref<1x100000x16xf32, #tpu.memory_space<hbm>> -> memref<100000x16xf32, #tpu.memory_space<hbm>>
      %dma_wait3A_773 = arith.constant 0 : i32
      %dma_wait3A_774 = arith.constant 0 : i32
      %dma_wait3A_775 = tpu.memref_slice %dma_wait3A_772[%dma_wait3A_773, %dma_wait3A_774] : memref<100000x16xf32, #tpu.memory_space<hbm>> -> memref<100000x16xf32, #tpu.memory_space<hbm>>
      tpu.wait_indirect_dma semaphore(%arg8 : memref<!tpu.dma_semaphore, #tpu.memory_space<semaphore_mem>>) src(%dma_wait3A_775 : memref<100000x16xf32, #tpu.memory_space<hbm>>) dst(%dma_wait3A_766 : memref<128x16xf32, #tpu.memory_space<vmem>>)
      %dma_wait3A_776 = arith.constant 25 : i32
      %dma_wait3A_777 = arith.constant 25 : i32
      %dma_wait3A_778 = arith.constant 3200 : i32
      %dma_wait3A_779 = arith.constant 0 : i32
      %dma_wait3A_780 = tpu.memref_slice %arg6[%dma_wait3A_778, %dma_wait3A_779] : memref<3328x16xf32, #tpu.memory_space<vmem>> -> memref<128x16xf32, #tpu.memory_space<vmem>>
      %dma_wait3A_781 = tpu.memref_slice %arg5[%dma_wait3A_777, %mul3A_412] : memref<26x512xi32, #tpu.memory_space<vmem>> -> memref<1x128xi32, #tpu.memory_space<vmem>>
      %dma_wait3A_782 = tpu.memref_squeeze %dma_wait3A_781 : memref<1x128xi32, #tpu.memory_space<vmem>> -> memref<128xi32, #tpu.memory_space<vmem>>
      %dma_wait3A_783 = arith.constant 0 : i32
      %dma_wait3A_784 = arith.constant 0 : i32
      %dma_wait3A_785 = tpu.memref_slice %arg2[%dma_wait3A_776, %dma_wait3A_783, %dma_wait3A_784] : memref<26x100000x16xf32, #tpu.memory_space<hbm>> -> memref<1x100000x16xf32, #tpu.memory_space<hbm>>
      %dma_wait3A_786 = tpu.memref_squeeze %dma_wait3A_785 : memref<1x100000x16xf32, #tpu.memory_space<hbm>> -> memref<100000x16xf32, #tpu.memory_space<hbm>>
      %dma_wait3A_787 = arith.constant 0 : i32
      %dma_wait3A_788 = arith.constant 0 : i32
      %dma_wait3A_789 = tpu.memref_slice %dma_wait3A_786[%dma_wait3A_787, %dma_wait3A_788] : memref<100000x16xf32, #tpu.memory_space<hbm>> -> memref<100000x16xf32, #tpu.memory_space<hbm>>
      tpu.wait_indirect_dma semaphore(%arg8 : memref<!tpu.dma_semaphore, #tpu.memory_space<semaphore_mem>>) src(%dma_wait3A_789 : memref<100000x16xf32, #tpu.memory_space<hbm>>) dst(%dma_wait3A_780 : memref<128x16xf32, #tpu.memory_space<vmem>>)
      %scan3A_790 = arith.constant 0 : i32
      %scan3A_791 = arith.constant 128 : i32
      %scan3A_792 = arith.addi %scan3A_790, %scan3A_791 : i32
      %scan3A_793 = arith.constant 1 : i32
      scf.for %scan3A_800 = %scan3A_790 to %scan3A_792 step %scan3A_793  : i32 {
        %mul3A_801 = arith.constant 1 : i32
        %mul3A_802 = arith.muli %scan3A_800, %mul3A_801 : i32
        %add3A_803 = arith.constant 0 : i32
        %add3A_804 = arith.addi %add3A_803, %mul3A_802 : i32
        %get3A = arith.index_cast %add3A_804 : i32 to index
        %get3A_805 = arith.constant 0 : index
        %get3A_806 = tpu.vector_load %arg6[%get3A, %get3A_805] {strides = array<i32>} : memref<3328x16xf32, #tpu.memory_space<vmem>>, vector<1x16xf32>,
        %get3A_807 = vector.shape_cast %get3A_806 : vector<1x16xf32> to vector<16xf32>
        %mul3A_808 = arith.mulf %get3A_807, %get3A_807 : vector<16xf32>
        %add3A_809 = arith.constant 128 : i32
        %add3A_810 = arith.addi %add3A_809, %add3A_804 : i32
        %get3A_811 = arith.index_cast %add3A_810 : i32 to index
        %get3A_812 = arith.constant 0 : index
        %get3A_813 = tpu.vector_load %arg6[%get3A_811, %get3A_812] {strides = array<i32>} : memref<3328x16xf32, #tpu.memory_space<vmem>>, vector<1x16xf32>,
        %get3A_814 = vector.shape_cast %get3A_813 : vector<1x16xf32> to vector<16xf32>
        %add3A_815 = arith.addf %get3A_807, %get3A_814 : vector<16xf32>
        %mul3A_816 = arith.mulf %get3A_814, %get3A_814 : vector<16xf32>
        %add3A_817 = arith.addf %mul3A_808, %mul3A_816 : vector<16xf32>
        %add3A_818 = arith.constant 256 : i32
        %add3A_819 = arith.addi %add3A_818, %add3A_804 : i32
        %get3A_820 = arith.index_cast %add3A_819 : i32 to index
        %get3A_821 = arith.constant 0 : index
        %get3A_822 = tpu.vector_load %arg6[%get3A_820, %get3A_821] {strides = array<i32>} : memref<3328x16xf32, #tpu.memory_space<vmem>>, vector<1x16xf32>,
        %get3A_823 = vector.shape_cast %get3A_822 : vector<1x16xf32> to vector<16xf32>
        %add3A_824 = arith.addf %add3A_815, %get3A_823 : vector<16xf32>
        %mul3A_825 = arith.mulf %get3A_823, %get3A_823 : vector<16xf32>
        %add3A_826 = arith.addf %add3A_817, %mul3A_825 : vector<16xf32>
        %add3A_827 = arith.constant 384 : i32
        %add3A_828 = arith.addi %add3A_827, %add3A_804 : i32
        %get3A_829 = arith.index_cast %add3A_828 : i32 to index
        %get3A_830 = arith.constant 0 : index
        %get3A_831 = tpu.vector_load %arg6[%get3A_829, %get3A_830] {strides = array<i32>} : memref<3328x16xf32, #tpu.memory_space<vmem>>, vector<1x16xf32>,
        %get3A_832 = vector.shape_cast %get3A_831 : vector<1x16xf32> to vector<16xf32>
        %add3A_833 = arith.addf %add3A_824, %get3A_832 : vector<16xf32>
        %mul3A_834 = arith.mulf %get3A_832, %get3A_832 : vector<16xf32>
        %add3A_835 = arith.addf %add3A_826, %mul3A_834 : vector<16xf32>
        %add3A_836 = arith.constant 512 : i32
        %add3A_837 = arith.addi %add3A_836, %add3A_804 : i32
        %get3A_838 = arith.index_cast %add3A_837 : i32 to index
        %get3A_839 = arith.constant 0 : index
        %get3A_840 = tpu.vector_load %arg6[%get3A_838, %get3A_839] {strides = array<i32>} : memref<3328x16xf32, #tpu.memory_space<vmem>>, vector<1x16xf32>,
        %get3A_841 = vector.shape_cast %get3A_840 : vector<1x16xf32> to vector<16xf32>
        %add3A_842 = arith.addf %add3A_833, %get3A_841 : vector<16xf32>
        %mul3A_843 = arith.mulf %get3A_841, %get3A_841 : vector<16xf32>
        %add3A_844 = arith.addf %add3A_835, %mul3A_843 : vector<16xf32>
        %add3A_845 = arith.constant 640 : i32
        %add3A_846 = arith.addi %add3A_845, %add3A_804 : i32
        %get3A_847 = arith.index_cast %add3A_846 : i32 to index
        %get3A_848 = arith.constant 0 : index
        %get3A_849 = tpu.vector_load %arg6[%get3A_847, %get3A_848] {strides = array<i32>} : memref<3328x16xf32, #tpu.memory_space<vmem>>, vector<1x16xf32>,
        %get3A_850 = vector.shape_cast %get3A_849 : vector<1x16xf32> to vector<16xf32>
        %add3A_851 = arith.addf %add3A_842, %get3A_850 : vector<16xf32>
        %mul3A_852 = arith.mulf %get3A_850, %get3A_850 : vector<16xf32>
        %add3A_853 = arith.addf %add3A_844, %mul3A_852 : vector<16xf32>
        %add3A_854 = arith.constant 768 : i32
        %add3A_855 = arith.addi %add3A_854, %add3A_804 : i32
        %get3A_856 = arith.index_cast %add3A_855 : i32 to index
        %get3A_857 = arith.constant 0 : index
        %get3A_858 = tpu.vector_load %arg6[%get3A_856, %get3A_857] {strides = array<i32>} : memref<3328x16xf32, #tpu.memory_space<vmem>>, vector<1x16xf32>,
        %get3A_859 = vector.shape_cast %get3A_858 : vector<1x16xf32> to vector<16xf32>
        %add3A_860 = arith.addf %add3A_851, %get3A_859 : vector<16xf32>
        %mul3A_861 = arith.mulf %get3A_859, %get3A_859 : vector<16xf32>
        %add3A_862 = arith.addf %add3A_853, %mul3A_861 : vector<16xf32>
        %add3A_863 = arith.constant 896 : i32
        %add3A_864 = arith.addi %add3A_863, %add3A_804 : i32
        %get3A_865 = arith.index_cast %add3A_864 : i32 to index
        %get3A_866 = arith.constant 0 : index
        %get3A_867 = tpu.vector_load %arg6[%get3A_865, %get3A_866] {strides = array<i32>} : memref<3328x16xf32, #tpu.memory_space<vmem>>, vector<1x16xf32>,
        %get3A_868 = vector.shape_cast %get3A_867 : vector<1x16xf32> to vector<16xf32>
        %add3A_869 = arith.addf %add3A_860, %get3A_868 : vector<16xf32>
        %mul3A_870 = arith.mulf %get3A_868, %get3A_868 : vector<16xf32>
        %add3A_871 = arith.addf %add3A_862, %mul3A_870 : vector<16xf32>
        %add3A_872 = arith.constant 1024 : i32
        %add3A_873 = arith.addi %add3A_872, %add3A_804 : i32
        %get3A_874 = arith.index_cast %add3A_873 : i32 to index
        %get3A_875 = arith.constant 0 : index
        %get3A_876 = tpu.vector_load %arg6[%get3A_874, %get3A_875] {strides = array<i32>} : memref<3328x16xf32, #tpu.memory_space<vmem>>, vector<1x16xf32>,
        %get3A_877 = vector.shape_cast %get3A_876 : vector<1x16xf32> to vector<16xf32>
        %add3A_878 = arith.addf %add3A_869, %get3A_877 : vector<16xf32>
        %mul3A_879 = arith.mulf %get3A_877, %get3A_877 : vector<16xf32>
        %add3A_880 = arith.addf %add3A_871, %mul3A_879 : vector<16xf32>
        %add3A_881 = arith.constant 1152 : i32
        %add3A_882 = arith.addi %add3A_881, %add3A_804 : i32
        %get3A_883 = arith.index_cast %add3A_882 : i32 to index
        %get3A_884 = arith.constant 0 : index
        %get3A_885 = tpu.vector_load %arg6[%get3A_883, %get3A_884] {strides = array<i32>} : memref<3328x16xf32, #tpu.memory_space<vmem>>, vector<1x16xf32>,
        %get3A_886 = vector.shape_cast %get3A_885 : vector<1x16xf32> to vector<16xf32>
        %add3A_887 = arith.addf %add3A_878, %get3A_886 : vector<16xf32>
        %mul3A_888 = arith.mulf %get3A_886, %get3A_886 : vector<16xf32>
        %add3A_889 = arith.addf %add3A_880, %mul3A_888 : vector<16xf32>
        %add3A_890 = arith.constant 1280 : i32
        %add3A_891 = arith.addi %add3A_890, %add3A_804 : i32
        %get3A_892 = arith.index_cast %add3A_891 : i32 to index
        %get3A_893 = arith.constant 0 : index
        %get3A_894 = tpu.vector_load %arg6[%get3A_892, %get3A_893] {strides = array<i32>} : memref<3328x16xf32, #tpu.memory_space<vmem>>, vector<1x16xf32>,
        %get3A_895 = vector.shape_cast %get3A_894 : vector<1x16xf32> to vector<16xf32>
        %add3A_896 = arith.addf %add3A_887, %get3A_895 : vector<16xf32>
        %mul3A_897 = arith.mulf %get3A_895, %get3A_895 : vector<16xf32>
        %add3A_898 = arith.addf %add3A_889, %mul3A_897 : vector<16xf32>
        %add3A_899 = arith.constant 1408 : i32
        %add3A_900 = arith.addi %add3A_899, %add3A_804 : i32
        %get3A_901 = arith.index_cast %add3A_900 : i32 to index
        %get3A_902 = arith.constant 0 : index
        %get3A_903 = tpu.vector_load %arg6[%get3A_901, %get3A_902] {strides = array<i32>} : memref<3328x16xf32, #tpu.memory_space<vmem>>, vector<1x16xf32>,
        %get3A_904 = vector.shape_cast %get3A_903 : vector<1x16xf32> to vector<16xf32>
        %add3A_905 = arith.addf %add3A_896, %get3A_904 : vector<16xf32>
        %mul3A_906 = arith.mulf %get3A_904, %get3A_904 : vector<16xf32>
        %add3A_907 = arith.addf %add3A_898, %mul3A_906 : vector<16xf32>
        %add3A_908 = arith.constant 1536 : i32
        %add3A_909 = arith.addi %add3A_908, %add3A_804 : i32
        %get3A_910 = arith.index_cast %add3A_909 : i32 to index
        %get3A_911 = arith.constant 0 : index
        %get3A_912 = tpu.vector_load %arg6[%get3A_910, %get3A_911] {strides = array<i32>} : memref<3328x16xf32, #tpu.memory_space<vmem>>, vector<1x16xf32>,
        %get3A_913 = vector.shape_cast %get3A_912 : vector<1x16xf32> to vector<16xf32>
        %add3A_914 = arith.addf %add3A_905, %get3A_913 : vector<16xf32>
        %mul3A_915 = arith.mulf %get3A_913, %get3A_913 : vector<16xf32>
        %add3A_916 = arith.addf %add3A_907, %mul3A_915 : vector<16xf32>
        %add3A_917 = arith.constant 1664 : i32
        %add3A_918 = arith.addi %add3A_917, %add3A_804 : i32
        %get3A_919 = arith.index_cast %add3A_918 : i32 to index
        %get3A_920 = arith.constant 0 : index
        %get3A_921 = tpu.vector_load %arg6[%get3A_919, %get3A_920] {strides = array<i32>} : memref<3328x16xf32, #tpu.memory_space<vmem>>, vector<1x16xf32>,
        %get3A_922 = vector.shape_cast %get3A_921 : vector<1x16xf32> to vector<16xf32>
        %add3A_923 = arith.addf %add3A_914, %get3A_922 : vector<16xf32>
        %mul3A_924 = arith.mulf %get3A_922, %get3A_922 : vector<16xf32>
        %add3A_925 = arith.addf %add3A_916, %mul3A_924 : vector<16xf32>
        %add3A_926 = arith.constant 1792 : i32
        %add3A_927 = arith.addi %add3A_926, %add3A_804 : i32
        %get3A_928 = arith.index_cast %add3A_927 : i32 to index
        %get3A_929 = arith.constant 0 : index
        %get3A_930 = tpu.vector_load %arg6[%get3A_928, %get3A_929] {strides = array<i32>} : memref<3328x16xf32, #tpu.memory_space<vmem>>, vector<1x16xf32>,
        %get3A_931 = vector.shape_cast %get3A_930 : vector<1x16xf32> to vector<16xf32>
        %add3A_932 = arith.addf %add3A_923, %get3A_931 : vector<16xf32>
        %mul3A_933 = arith.mulf %get3A_931, %get3A_931 : vector<16xf32>
        %add3A_934 = arith.addf %add3A_925, %mul3A_933 : vector<16xf32>
        %add3A_935 = arith.constant 1920 : i32
        %add3A_936 = arith.addi %add3A_935, %add3A_804 : i32
        %get3A_937 = arith.index_cast %add3A_936 : i32 to index
        %get3A_938 = arith.constant 0 : index
        %get3A_939 = tpu.vector_load %arg6[%get3A_937, %get3A_938] {strides = array<i32>} : memref<3328x16xf32, #tpu.memory_space<vmem>>, vector<1x16xf32>,
        %get3A_940 = vector.shape_cast %get3A_939 : vector<1x16xf32> to vector<16xf32>
        %add3A_941 = arith.addf %add3A_932, %get3A_940 : vector<16xf32>
        %mul3A_942 = arith.mulf %get3A_940, %get3A_940 : vector<16xf32>
        %add3A_943 = arith.addf %add3A_934, %mul3A_942 : vector<16xf32>
        %add3A_944 = arith.constant 2048 : i32
        %add3A_945 = arith.addi %add3A_944, %add3A_804 : i32
        %get3A_946 = arith.index_cast %add3A_945 : i32 to index
        %get3A_947 = arith.constant 0 : index
        %get3A_948 = tpu.vector_load %arg6[%get3A_946, %get3A_947] {strides = array<i32>} : memref<3328x16xf32, #tpu.memory_space<vmem>>, vector<1x16xf32>,
        %get3A_949 = vector.shape_cast %get3A_948 : vector<1x16xf32> to vector<16xf32>
        %add3A_950 = arith.addf %add3A_941, %get3A_949 : vector<16xf32>
        %mul3A_951 = arith.mulf %get3A_949, %get3A_949 : vector<16xf32>
        %add3A_952 = arith.addf %add3A_943, %mul3A_951 : vector<16xf32>
        %add3A_953 = arith.constant 2176 : i32
        %add3A_954 = arith.addi %add3A_953, %add3A_804 : i32
        %get3A_955 = arith.index_cast %add3A_954 : i32 to index
        %get3A_956 = arith.constant 0 : index
        %get3A_957 = tpu.vector_load %arg6[%get3A_955, %get3A_956] {strides = array<i32>} : memref<3328x16xf32, #tpu.memory_space<vmem>>, vector<1x16xf32>,
        %get3A_958 = vector.shape_cast %get3A_957 : vector<1x16xf32> to vector<16xf32>
        %add3A_959 = arith.addf %add3A_950, %get3A_958 : vector<16xf32>
        %mul3A_960 = arith.mulf %get3A_958, %get3A_958 : vector<16xf32>
        %add3A_961 = arith.addf %add3A_952, %mul3A_960 : vector<16xf32>
        %add3A_962 = arith.constant 2304 : i32
        %add3A_963 = arith.addi %add3A_962, %add3A_804 : i32
        %get3A_964 = arith.index_cast %add3A_963 : i32 to index
        %get3A_965 = arith.constant 0 : index
        %get3A_966 = tpu.vector_load %arg6[%get3A_964, %get3A_965] {strides = array<i32>} : memref<3328x16xf32, #tpu.memory_space<vmem>>, vector<1x16xf32>,
        %get3A_967 = vector.shape_cast %get3A_966 : vector<1x16xf32> to vector<16xf32>
        %add3A_968 = arith.addf %add3A_959, %get3A_967 : vector<16xf32>
        %mul3A_969 = arith.mulf %get3A_967, %get3A_967 : vector<16xf32>
        %add3A_970 = arith.addf %add3A_961, %mul3A_969 : vector<16xf32>
        %add3A_971 = arith.constant 2432 : i32
        %add3A_972 = arith.addi %add3A_971, %add3A_804 : i32
        %get3A_973 = arith.index_cast %add3A_972 : i32 to index
        %get3A_974 = arith.constant 0 : index
        %get3A_975 = tpu.vector_load %arg6[%get3A_973, %get3A_974] {strides = array<i32>} : memref<3328x16xf32, #tpu.memory_space<vmem>>, vector<1x16xf32>,
        %get3A_976 = vector.shape_cast %get3A_975 : vector<1x16xf32> to vector<16xf32>
        %add3A_977 = arith.addf %add3A_968, %get3A_976 : vector<16xf32>
        %mul3A_978 = arith.mulf %get3A_976, %get3A_976 : vector<16xf32>
        %add3A_979 = arith.addf %add3A_970, %mul3A_978 : vector<16xf32>
        %add3A_980 = arith.constant 2560 : i32
        %add3A_981 = arith.addi %add3A_980, %add3A_804 : i32
        %get3A_982 = arith.index_cast %add3A_981 : i32 to index
        %get3A_983 = arith.constant 0 : index
        %get3A_984 = tpu.vector_load %arg6[%get3A_982, %get3A_983] {strides = array<i32>} : memref<3328x16xf32, #tpu.memory_space<vmem>>, vector<1x16xf32>,
        %get3A_985 = vector.shape_cast %get3A_984 : vector<1x16xf32> to vector<16xf32>
        %add3A_986 = arith.addf %add3A_977, %get3A_985 : vector<16xf32>
        %mul3A_987 = arith.mulf %get3A_985, %get3A_985 : vector<16xf32>
        %add3A_988 = arith.addf %add3A_979, %mul3A_987 : vector<16xf32>
        %add3A_989 = arith.constant 2688 : i32
        %add3A_990 = arith.addi %add3A_989, %add3A_804 : i32
        %get3A_991 = arith.index_cast %add3A_990 : i32 to index
        %get3A_992 = arith.constant 0 : index
        %get3A_993 = tpu.vector_load %arg6[%get3A_991, %get3A_992] {strides = array<i32>} : memref<3328x16xf32, #tpu.memory_space<vmem>>, vector<1x16xf32>,
        %get3A_994 = vector.shape_cast %get3A_993 : vector<1x16xf32> to vector<16xf32>
        %add3A_995 = arith.addf %add3A_986, %get3A_994 : vector<16xf32>
        %mul3A_996 = arith.mulf %get3A_994, %get3A_994 : vector<16xf32>
        %add3A_997 = arith.addf %add3A_988, %mul3A_996 : vector<16xf32>
        %add3A_998 = arith.constant 2816 : i32
        %add3A_999 = arith.addi %add3A_998, %add3A_804 : i32
        %get3A_1000 = arith.index_cast %add3A_999 : i32 to index
        %get3A_1001 = arith.constant 0 : index
        %get3A_1002 = tpu.vector_load %arg6[%get3A_1000, %get3A_1001] {strides = array<i32>} : memref<3328x16xf32, #tpu.memory_space<vmem>>, vector<1x16xf32>,
        %get3A_1003 = vector.shape_cast %get3A_1002 : vector<1x16xf32> to vector<16xf32>
        %add3A_1004 = arith.addf %add3A_995, %get3A_1003 : vector<16xf32>
        %mul3A_1005 = arith.mulf %get3A_1003, %get3A_1003 : vector<16xf32>
        %add3A_1006 = arith.addf %add3A_997, %mul3A_1005 : vector<16xf32>
        %add3A_1007 = arith.constant 2944 : i32
        %add3A_1008 = arith.addi %add3A_1007, %add3A_804 : i32
        %get3A_1009 = arith.index_cast %add3A_1008 : i32 to index
        %get3A_1010 = arith.constant 0 : index
        %get3A_1011 = tpu.vector_load %arg6[%get3A_1009, %get3A_1010] {strides = array<i32>} : memref<3328x16xf32, #tpu.memory_space<vmem>>, vector<1x16xf32>,
        %get3A_1012 = vector.shape_cast %get3A_1011 : vector<1x16xf32> to vector<16xf32>
        %add3A_1013 = arith.addf %add3A_1004, %get3A_1012 : vector<16xf32>
        %mul3A_1014 = arith.mulf %get3A_1012, %get3A_1012 : vector<16xf32>
        %add3A_1015 = arith.addf %add3A_1006, %mul3A_1014 : vector<16xf32>
        %add3A_1016 = arith.constant 3072 : i32
        %add3A_1017 = arith.addi %add3A_1016, %add3A_804 : i32
        %get3A_1018 = arith.index_cast %add3A_1017 : i32 to index
        %get3A_1019 = arith.constant 0 : index
        %get3A_1020 = tpu.vector_load %arg6[%get3A_1018, %get3A_1019] {strides = array<i32>} : memref<3328x16xf32, #tpu.memory_space<vmem>>, vector<1x16xf32>,
        %get3A_1021 = vector.shape_cast %get3A_1020 : vector<1x16xf32> to vector<16xf32>
        %add3A_1022 = arith.addf %add3A_1013, %get3A_1021 : vector<16xf32>
        %mul3A_1023 = arith.mulf %get3A_1021, %get3A_1021 : vector<16xf32>
        %add3A_1024 = arith.addf %add3A_1015, %mul3A_1023 : vector<16xf32>
        %add3A_1025 = arith.constant 3200 : i32
        %add3A_1026 = arith.addi %add3A_1025, %add3A_804 : i32
        %get3A_1027 = arith.index_cast %add3A_1026 : i32 to index
        %get3A_1028 = arith.constant 0 : index
        %get3A_1029 = tpu.vector_load %arg6[%get3A_1027, %get3A_1028] {strides = array<i32>} : memref<3328x16xf32, #tpu.memory_space<vmem>>, vector<1x16xf32>,
        %get3A_1030 = vector.shape_cast %get3A_1029 : vector<1x16xf32> to vector<16xf32>
        %add3A_1031 = arith.addf %add3A_1022, %get3A_1030 : vector<16xf32>
        %mul3A_1032 = arith.mulf %get3A_1030, %get3A_1030 : vector<16xf32>
        %add3A_1033 = arith.addf %add3A_1024, %mul3A_1032 : vector<16xf32>
        %mul3A_1034 = arith.mulf %add3A_1031, %add3A_1031 : vector<16xf32>
        %sub3A = arith.subf %mul3A_1034, %add3A_1033 : vector<16xf32>
        %mul3A_1035 = arith.constant 5.000000e-01 : f32
        %mul3A_1036 = vector.broadcast %mul3A_1035 : f32 to vector<16xf32>
        %mul3A_1037 = arith.mulf %sub3A, %mul3A_1036 : vector<16xf32>
        %swap3A = arith.index_cast %add3A_804 : i32 to index
        %swap3A_1038 = arith.constant 0 : index
        %swap3A_1039 = tpu.vector_load %arg7[%swap3A, %swap3A_1038] {strides = array<i32>} : memref<128x16xf32, #tpu.memory_space<vmem>>, vector<1x16xf32>,
        %swap3A_1040 = vector.shape_cast %swap3A_1039 : vector<1x16xf32> to vector<16xf32>
        %swap3A_1041 = vector.shape_cast %mul3A_1037 : vector<16xf32> to vector<1x16xf32>
        tpu.vector_store %arg7[%swap3A, %swap3A_1038], %swap3A_1041 {strides = array<i32>} : memref<128x16xf32, #tpu.memory_space<vmem>>, vector<1x16xf32>,
      }
      %scan3A_794 = arith.constant 128 : i32
      %mul3A_795 = arith.constant 512 : i32
      %mul3A_796 = arith.muli %add3A, %mul3A_795 : i32
      %mul3A_797 = arith.constant 128 : i32
      %mul3A_798 = arith.muli %add3A_11, %mul3A_797 : i32
      %add3A_799 = arith.addi %mul3A_796, %mul3A_798 : i32
      "tpu.region"() ({
        %run_scoped3A = tpu.sem_alloc : memref<!tpu.dma_semaphore, #tpu.memory_space<semaphore_mem>>
        %dma_start3A_800 = arith.constant 0 : i32
        %dma_start3A_801 = tpu.memref_slice %arg4[%add3A_799, %dma_start3A_800] : memref<16384x16xf32, #tpu.memory_space<hbm>> -> memref<128x16xf32, #tpu.memory_space<hbm>>
        %dma_start3A_802 = arith.constant 0 : i32
        %dma_start3A_803 = tpu.memref_slice %arg4[%add3A_799, %dma_start3A_802] : memref<16384x16xf32, #tpu.memory_space<hbm>> -> memref<128x16xf32, #tpu.memory_space<hbm>>
        tpu.enqueue_dma source(%arg7 : memref<128x16xf32, #tpu.memory_space<vmem>>) target(%dma_start3A_803 : memref<128x16xf32, #tpu.memory_space<hbm>>) target_semaphore(%run_scoped3A : memref<!tpu.dma_semaphore, #tpu.memory_space<semaphore_mem>>)
        %dma_wait3A_804 = arith.constant 0 : i32
        %dma_wait3A_805 = tpu.memref_slice %arg4[%add3A_799, %dma_wait3A_804] : memref<16384x16xf32, #tpu.memory_space<hbm>> -> memref<128x16xf32, #tpu.memory_space<hbm>>
        %dma_wait3A_806 = arith.constant 0 : i32
        %dma_wait3A_807 = tpu.memref_slice %arg4[%add3A_799, %dma_wait3A_806] : memref<16384x16xf32, #tpu.memory_space<hbm>> -> memref<128x16xf32, #tpu.memory_space<hbm>>
        tpu.wait_dma2 semaphore(%run_scoped3A : memref<!tpu.dma_semaphore, #tpu.memory_space<semaphore_mem>>) src(%arg7 : memref<128x16xf32, #tpu.memory_space<vmem>>) dst(%dma_wait3A_807 : memref<128x16xf32, #tpu.memory_space<hbm>>)
        tpu.yield
      }) : () -> ()
    }
    %scan3A_6 = arith.constant 4 : i32
    return
  }
}

module attributes {stable_mosaic.version = 14 : i64} {
  func.func @_stats_body(%arg0: memref<16384x13xf32, #tpu.memory_space<vmem>>, %arg1: memref<16384x16xf32, #tpu.memory_space<vmem>>, %arg2: memref<1x13xf32, #tpu.memory_space<vmem>>, %arg3: memref<1x13xf32, #tpu.memory_space<vmem>>, %arg4: memref<1x16xf32, #tpu.memory_space<vmem>>, %arg5: memref<1x16xf32, #tpu.memory_space<vmem>>, %arg6: memref<1x13xf32, #tpu.memory_space<vmem>>, %arg7: memref<1x13xf32, #tpu.memory_space<vmem>>, %arg8: memref<1x16xf32, #tpu.memory_space<vmem>>, %arg9: memref<1x16xf32, #tpu.memory_space<vmem>>) attributes {dimension_semantics = [], scalar_prefetch = 0 : i64, scratch_operands = 0 : i64, tpu.core_type = #tpu.core_type<tc>} {
    %broadcast_in_dim3A = arith.constant 0.000000e+00 : f32
    %broadcast_in_dim3A_0 = vector.broadcast %broadcast_in_dim3A : f32 to vector<1x13xf32>
    %broadcast_in_dim3A_1 = arith.constant 0.000000e+00 : f32
    %broadcast_in_dim3A_2 = vector.broadcast %broadcast_in_dim3A_1 : f32 to vector<1x16xf32>
    %scan3A = arith.constant 0 : i32
    %scan3A_3 = arith.constant 8 : i32
    %scan3A_4 = arith.addi %scan3A, %scan3A_3 : i32
    %scan3A_5 = arith.constant 1 : i32
    %scan3A_6:4 = scf.for %scan3A_55 = %scan3A to %scan3A_4 step %scan3A_5 iter_args(%scan3A_56 = %broadcast_in_dim3A_0, %scan3A_57 = %broadcast_in_dim3A_0, %scan3A_58 = %broadcast_in_dim3A_2, %scan3A_59 = %broadcast_in_dim3A_2) -> (vector<1x13xf32>, vector<1x13xf32>, vector<1x16xf32>, vector<1x16xf32>)  : i32 {
      %mul3A_60 = arith.constant 2048 : i32
      %mul3A_61 = arith.muli %scan3A_55, %mul3A_60 : i32
      %get3A_62 = arith.index_cast %mul3A_61 : i32 to index
      %get3A_63 = arith.constant 0 : index
      %get3A_64 = vector.load %arg0[%get3A_62, %get3A_63] : memref<16384x13xf32, #tpu.memory_space<vmem>>, vector<2048x13xf32>
      %mul3A_65 = arith.constant 2048 : i32
      %mul3A_66 = arith.muli %scan3A_55, %mul3A_65 : i32
      %get3A_67 = arith.index_cast %mul3A_66 : i32 to index
      %get3A_68 = arith.constant 0 : index
      %get3A_69 = vector.load %arg1[%get3A_67, %get3A_68] : memref<16384x16xf32, #tpu.memory_space<vmem>>, vector<2048x16xf32>
      %reduce_sum3A = arith.constant dense<0.000000e+00> : vector<13xf32>
      %reduce_sum3A_70 = vector.multi_reduction <add>, %get3A_64, %reduce_sum3A [0] : vector<2048x13xf32> to vector<13xf32>
      %broadcast_in_dim3A_71 = vector.shape_cast %reduce_sum3A_70 : vector<13xf32> to vector<1x13xf32>
      %add3A_72 = arith.addf %scan3A_56, %broadcast_in_dim3A_71 : vector<1x13xf32>
      %mul3A_73 = arith.mulf %get3A_64, %get3A_64 : vector<2048x13xf32>
      %reduce_sum3A_74 = arith.constant dense<0.000000e+00> : vector<13xf32>
      %reduce_sum3A_75 = vector.multi_reduction <add>, %mul3A_73, %reduce_sum3A_74 [0] : vector<2048x13xf32> to vector<13xf32>
      %broadcast_in_dim3A_76 = vector.shape_cast %reduce_sum3A_75 : vector<13xf32> to vector<1x13xf32>
      %add3A_77 = arith.addf %scan3A_57, %broadcast_in_dim3A_76 : vector<1x13xf32>
      %reduce_sum3A_78 = arith.constant dense<0.000000e+00> : vector<16xf32>
      %reduce_sum3A_79 = vector.multi_reduction <add>, %get3A_69, %reduce_sum3A_78 [0] : vector<2048x16xf32> to vector<16xf32>
      %broadcast_in_dim3A_80 = vector.shape_cast %reduce_sum3A_79 : vector<16xf32> to vector<1x16xf32>
      %add3A_81 = arith.addf %scan3A_58, %broadcast_in_dim3A_80 : vector<1x16xf32>
      %mul3A_82 = arith.mulf %get3A_69, %get3A_69 : vector<2048x16xf32>
      %reduce_sum3A_83 = arith.constant dense<0.000000e+00> : vector<16xf32>
      %reduce_sum3A_84 = vector.multi_reduction <add>, %mul3A_82, %reduce_sum3A_83 [0] : vector<2048x16xf32> to vector<16xf32>
      %broadcast_in_dim3A_85 = vector.shape_cast %reduce_sum3A_84 : vector<16xf32> to vector<1x16xf32>
      %add3A_86 = arith.addf %scan3A_59, %broadcast_in_dim3A_85 : vector<1x16xf32>
      scf.yield %add3A_72, %add3A_77, %add3A_81, %add3A_86 : vector<1x13xf32>, vector<1x13xf32>, vector<1x16xf32>, vector<1x16xf32>
    }
    %scan3A_7 = arith.constant 8 : i32
    %div3A = arith.constant 1.638400e+04 : f32
    %div3A_8 = vector.broadcast %div3A : f32 to vector<1x13xf32>
    %div3A_9 = arith.divf %scan3A_6#0, %div3A_8 : vector<1x13xf32>
    %div3A_10 = arith.constant 1.638400e+04 : f32
    %div3A_11 = vector.broadcast %div3A_10 : f32 to vector<1x13xf32>
    %div3A_12 = arith.divf %scan3A_6#1, %div3A_11 : vector<1x13xf32>
    %mul3A = arith.mulf %div3A_9, %div3A_9 : vector<1x13xf32>
    %sub3A = arith.subf %div3A_12, %mul3A : vector<1x13xf32>
    %get3A = arith.constant 0 : index
    %get3A_13 = arith.constant 0 : index
    %get3A_14 = vector.load %arg2[%get3A, %get3A_13] : memref<1x13xf32, #tpu.memory_space<vmem>>, vector<1x13xf32>
    %add3A = arith.constant 1.000000e-03 : f32
    %add3A_15 = vector.broadcast %add3A : f32 to vector<1x13xf32>
    %add3A_16 = arith.addf %sub3A, %add3A_15 : vector<1x13xf32>
    %rsqrt3A = math.rsqrt %add3A_16 : vector<1x13xf32>
    %mul3A_17 = arith.mulf %get3A_14, %rsqrt3A : vector<1x13xf32>
    %get3A_18 = arith.constant 0 : index
    %get3A_19 = arith.constant 0 : index
    %get3A_20 = vector.load %arg3[%get3A_18, %get3A_19] : memref<1x13xf32, #tpu.memory_space<vmem>>, vector<1x13xf32>
    %mul3A_21 = arith.mulf %div3A_9, %mul3A_17 : vector<1x13xf32>
    %sub3A_22 = arith.subf %get3A_20, %mul3A_21 : vector<1x13xf32>
    %div3A_23 = arith.constant 1.638400e+04 : f32
    %div3A_24 = vector.broadcast %div3A_23 : f32 to vector<1x16xf32>
    %div3A_25 = arith.divf %scan3A_6#2, %div3A_24 : vector<1x16xf32>
    %div3A_26 = arith.constant 1.638400e+04 : f32
    %div3A_27 = vector.broadcast %div3A_26 : f32 to vector<1x16xf32>
    %div3A_28 = arith.divf %scan3A_6#3, %div3A_27 : vector<1x16xf32>
    %mul3A_29 = arith.mulf %div3A_25, %div3A_25 : vector<1x16xf32>
    %sub3A_30 = arith.subf %div3A_28, %mul3A_29 : vector<1x16xf32>
    %get3A_31 = arith.constant 0 : index
    %get3A_32 = arith.constant 0 : index
    %get3A_33 = vector.load %arg4[%get3A_31, %get3A_32] : memref<1x16xf32, #tpu.memory_space<vmem>>, vector<1x16xf32>
    %add3A_34 = arith.constant 1.000000e-03 : f32
    %add3A_35 = vector.broadcast %add3A_34 : f32 to vector<1x16xf32>
    %add3A_36 = arith.addf %sub3A_30, %add3A_35 : vector<1x16xf32>
    %rsqrt3A_37 = math.rsqrt %add3A_36 : vector<1x16xf32>
    %mul3A_38 = arith.mulf %get3A_33, %rsqrt3A_37 : vector<1x16xf32>
    %get3A_39 = arith.constant 0 : index
    %get3A_40 = arith.constant 0 : index
    %get3A_41 = vector.load %arg5[%get3A_39, %get3A_40] : memref<1x16xf32, #tpu.memory_space<vmem>>, vector<1x16xf32>
    %mul3A_42 = arith.mulf %div3A_25, %mul3A_38 : vector<1x16xf32>
    %sub3A_43 = arith.subf %get3A_41, %mul3A_42 : vector<1x16xf32>
    %swap3A = arith.constant 0 : index
    %swap3A_44 = arith.constant 0 : index
    %swap3A_45 = vector.load %arg6[%swap3A, %swap3A_44] : memref<1x13xf32, #tpu.memory_space<vmem>>, vector<1x13xf32>
    tpu.vector_store %arg6[%swap3A, %swap3A_44], %mul3A_17 {strides = array<i32>} : memref<1x13xf32, #tpu.memory_space<vmem>>, vector<1x13xf32>,
    %swap3A_46 = arith.constant 0 : index
    %swap3A_47 = arith.constant 0 : index
    %swap3A_48 = vector.load %arg7[%swap3A_46, %swap3A_47] : memref<1x13xf32, #tpu.memory_space<vmem>>, vector<1x13xf32>
    tpu.vector_store %arg7[%swap3A_46, %swap3A_47], %sub3A_22 {strides = array<i32>} : memref<1x13xf32, #tpu.memory_space<vmem>>, vector<1x13xf32>,
    %swap3A_49 = arith.constant 0 : index
    %swap3A_50 = arith.constant 0 : index
    %swap3A_51 = vector.load %arg8[%swap3A_49, %swap3A_50] : memref<1x16xf32, #tpu.memory_space<vmem>>, vector<1x16xf32>
    tpu.vector_store %arg8[%swap3A_49, %swap3A_50], %mul3A_38 {strides = array<i32>} : memref<1x16xf32, #tpu.memory_space<vmem>>, vector<1x16xf32>,
    %swap3A_52 = arith.constant 0 : index
    %swap3A_53 = arith.constant 0 : index
    %swap3A_54 = vector.load %arg9[%swap3A_52, %swap3A_53] : memref<1x16xf32, #tpu.memory_space<vmem>>, vector<1x16xf32>
    tpu.vector_store %arg9[%swap3A_52, %swap3A_53], %sub3A_43 {strides = array<i32>} : memref<1x16xf32, #tpu.memory_space<vmem>>, vector<1x16xf32>,
    return
  }
}

module attributes {stable_mosaic.version = 14 : i64} {
  func.func @_mlp_body(%arg0: i32, %arg1: memref<1024x13xf32, #tpu.memory_space<vmem>>, %arg2: memref<1024x16xf32, #tpu.memory_space<vmem>>, %arg3: memref<1x13xf32, #tpu.memory_space<vmem>>, %arg4: memref<1x13xf32, #tpu.memory_space<vmem>>, %arg5: memref<1x16xf32, #tpu.memory_space<vmem>>, %arg6: memref<1x16xf32, #tpu.memory_space<vmem>>, %arg7: memref<13x256xf32, #tpu.memory_space<vmem>>, %arg8: memref<16x256xf32, #tpu.memory_space<vmem>>, %arg9: memref<1x256xf32, #tpu.memory_space<vmem>>, %arg10: memref<256x128xf32, #tpu.memory_space<vmem>>, %arg11: memref<1x128xf32, #tpu.memory_space<vmem>>, %arg12: memref<128x64xf32, #tpu.memory_space<vmem>>, %arg13: memref<1x64xf32, #tpu.memory_space<vmem>>, %arg14: memref<64x1xf32, #tpu.memory_space<vmem>>, %arg15: memref<1x1xf32, #tpu.memory_space<vmem>>, %arg16: memref<1024x1xf32, #tpu.memory_space<vmem>>) attributes {dimension_semantics = [#tpu.dimension_semantics<arbitrary>], iteration_bounds = array<i64: 16>, scalar_prefetch = 0 : i64, scratch_operands = 0 : i64, tpu.core_type = #tpu.core_type<tc>, window_params = [{transform_indices = @transform_0, window_bounds = array<i64: 1024, 13>}, {transform_indices = @transform_1, window_bounds = array<i64: 1024, 16>}, {pipeline_mode = #tpu.pipeline_mode<synchronous>, transform_indices = @transform_2, window_bounds = array<i64: 1, 13>}, {pipeline_mode = #tpu.pipeline_mode<synchronous>, transform_indices = @transform_3, window_bounds = array<i64: 1, 13>}, {pipeline_mode = #tpu.pipeline_mode<synchronous>, transform_indices = @transform_4, window_bounds = array<i64: 1, 16>}, {pipeline_mode = #tpu.pipeline_mode<synchronous>, transform_indices = @transform_5, window_bounds = array<i64: 1, 16>}, {pipeline_mode = #tpu.pipeline_mode<synchronous>, transform_indices = @transform_6, window_bounds = array<i64: 13, 256>}, {pipeline_mode = #tpu.pipeline_mode<synchronous>, transform_indices = @transform_7, window_bounds = array<i64: 16, 256>}, {pipeline_mode = #tpu.pipeline_mode<synchronous>, transform_indices = @transform_8, window_bounds = array<i64: 1, 256>}, {pipeline_mode = #tpu.pipeline_mode<synchronous>, transform_indices = @transform_9, window_bounds = array<i64: 256, 128>}, {pipeline_mode = #tpu.pipeline_mode<synchronous>, transform_indices = @transform_10, window_bounds = array<i64: 1, 128>}, {pipeline_mode = #tpu.pipeline_mode<synchronous>, transform_indices = @transform_11, window_bounds = array<i64: 128, 64>}, {pipeline_mode = #tpu.pipeline_mode<synchronous>, transform_indices = @transform_12, window_bounds = array<i64: 1, 64>}, {pipeline_mode = #tpu.pipeline_mode<synchronous>, transform_indices = @transform_13, window_bounds = array<i64: 64, 1>}, {pipeline_mode = #tpu.pipeline_mode<synchronous>, transform_indices = @transform_14, window_bounds = array<i64: 1, 1>}, {transform_indices = @transform_15, window_bounds = array<i64: 1024, 1>}]} {
    %get3A = arith.constant 0 : index
    %get3A_0 = arith.constant 0 : index
    %get3A_1 = vector.load %arg1[%get3A, %get3A_0] : memref<1024x13xf32, #tpu.memory_space<vmem>>, vector<1024x13xf32>
    %get3A_2 = arith.constant 0 : index
    %get3A_3 = arith.constant 0 : index
    %get3A_4 = vector.load %arg3[%get3A_2, %get3A_3] : memref<1x13xf32, #tpu.memory_space<vmem>>, vector<1x13xf32>
    %mul3A = vector.broadcast %get3A_4 : vector<1x13xf32> to vector<1024x13xf32>
    %mul3A_5 = arith.mulf %get3A_1, %mul3A : vector<1024x13xf32>
    %get3A_6 = arith.constant 0 : index
    %get3A_7 = arith.constant 0 : index
    %get3A_8 = vector.load %arg4[%get3A_6, %get3A_7] : memref<1x13xf32, #tpu.memory_space<vmem>>, vector<1x13xf32>
    %add3A = vector.broadcast %get3A_8 : vector<1x13xf32> to vector<1024x13xf32>
    %add3A_9 = arith.addf %mul3A_5, %add3A : vector<1024x13xf32>
    %get3A_10 = arith.constant 0 : index
    %get3A_11 = arith.constant 0 : index
    %get3A_12 = vector.load %arg2[%get3A_10, %get3A_11] : memref<1024x16xf32, #tpu.memory_space<vmem>>, vector<1024x16xf32>
    %get3A_13 = arith.constant 0 : index
    %get3A_14 = arith.constant 0 : index
    %get3A_15 = vector.load %arg5[%get3A_13, %get3A_14] : memref<1x16xf32, #tpu.memory_space<vmem>>, vector<1x16xf32>
    %mul3A_16 = vector.broadcast %get3A_15 : vector<1x16xf32> to vector<1024x16xf32>
    %mul3A_17 = arith.mulf %get3A_12, %mul3A_16 : vector<1024x16xf32>
    %get3A_18 = arith.constant 0 : index
    %get3A_19 = arith.constant 0 : index
    %get3A_20 = vector.load %arg6[%get3A_18, %get3A_19] : memref<1x16xf32, #tpu.memory_space<vmem>>, vector<1x16xf32>
    %add3A_21 = vector.broadcast %get3A_20 : vector<1x16xf32> to vector<1024x16xf32>
    %add3A_22 = arith.addf %mul3A_17, %add3A_21 : vector<1024x16xf32>
    %get3A_23 = arith.constant 0 : index
    %get3A_24 = arith.constant 0 : index
    %get3A_25 = vector.load %arg7[%get3A_23, %get3A_24] : memref<13x256xf32, #tpu.memory_space<vmem>>, vector<13x256xf32>
    %dot_general3A = arith.constant dense<0.000000e+00> : vector<1024x256xf32>
    %dot_general3A_26 = tpu.matmul %add3A_9, %get3A_25, %dot_general3A {dimension_numbers = #tpu.dot_dimension_numbers<[1], [0], [0], [1], [0, 0, 1, 1], [], []>, precision = #tpu.contract_precision<fp32>, transpose_lhs_hint = false} : vector<1024x13xf32>, vector<13x256xf32>, vector<1024x256xf32> -> vector<1024x256xf32>
    %get3A_27 = arith.constant 0 : index
    %get3A_28 = arith.constant 0 : index
    %get3A_29 = vector.load %arg8[%get3A_27, %get3A_28] : memref<16x256xf32, #tpu.memory_space<vmem>>, vector<16x256xf32>
    %dot_general3A_30 = arith.constant dense<0.000000e+00> : vector<1024x256xf32>
    %dot_general3A_31 = tpu.matmul %add3A_22, %get3A_29, %dot_general3A_30 {dimension_numbers = #tpu.dot_dimension_numbers<[1], [0], [0], [1], [0, 0, 1, 1], [], []>, precision = #tpu.contract_precision<fp32>, transpose_lhs_hint = false} : vector<1024x16xf32>, vector<16x256xf32>, vector<1024x256xf32> -> vector<1024x256xf32>
    %add3A_32 = arith.addf %dot_general3A_26, %dot_general3A_31 : vector<1024x256xf32>
    %get3A_33 = arith.constant 0 : index
    %get3A_34 = arith.constant 0 : index
    %get3A_35 = vector.load %arg9[%get3A_33, %get3A_34] : memref<1x256xf32, #tpu.memory_space<vmem>>, vector<1x256xf32>
    %add3A_36 = vector.broadcast %get3A_35 : vector<1x256xf32> to vector<1024x256xf32>
    %add3A_37 = arith.addf %add3A_32, %add3A_36 : vector<1024x256xf32>
    %max3A = arith.constant 0.000000e+00 : f32
    %max3A_38 = vector.broadcast %max3A : f32 to vector<1024x256xf32>
    %max3A_39 = arith.maximumf %add3A_37, %max3A_38 : vector<1024x256xf32>
    %get3A_40 = arith.constant 0 : index
    %get3A_41 = arith.constant 0 : index
    %get3A_42 = vector.load %arg10[%get3A_40, %get3A_41] : memref<256x128xf32, #tpu.memory_space<vmem>>, vector<256x128xf32>
    %dot_general3A_43 = arith.constant dense<0.000000e+00> : vector<1024x128xf32>
    %dot_general3A_44 = tpu.matmul %max3A_39, %get3A_42, %dot_general3A_43 {dimension_numbers = #tpu.dot_dimension_numbers<[1], [0], [0], [1], [0, 0, 1, 1], [], []>, precision = #tpu.contract_precision<fp32>, transpose_lhs_hint = false} : vector<1024x256xf32>, vector<256x128xf32>, vector<1024x128xf32> -> vector<1024x128xf32>
    %get3A_45 = arith.constant 0 : index
    %get3A_46 = arith.constant 0 : index
    %get3A_47 = vector.load %arg11[%get3A_45, %get3A_46] : memref<1x128xf32, #tpu.memory_space<vmem>>, vector<1x128xf32>
    %add3A_48 = vector.broadcast %get3A_47 : vector<1x128xf32> to vector<1024x128xf32>
    %add3A_49 = arith.addf %dot_general3A_44, %add3A_48 : vector<1024x128xf32>
    %max3A_50 = arith.constant 0.000000e+00 : f32
    %max3A_51 = vector.broadcast %max3A_50 : f32 to vector<1024x128xf32>
    %max3A_52 = arith.maximumf %add3A_49, %max3A_51 : vector<1024x128xf32>
    %get3A_53 = arith.constant 0 : index
    %get3A_54 = arith.constant 0 : index
    %get3A_55 = vector.load %arg12[%get3A_53, %get3A_54] : memref<128x64xf32, #tpu.memory_space<vmem>>, vector<128x64xf32>
    %dot_general3A_56 = arith.constant dense<0.000000e+00> : vector<1024x64xf32>
    %dot_general3A_57 = tpu.matmul %max3A_52, %get3A_55, %dot_general3A_56 {dimension_numbers = #tpu.dot_dimension_numbers<[1], [0], [0], [1], [0, 0, 1, 1], [], []>, precision = #tpu.contract_precision<fp32>, transpose_lhs_hint = false} : vector<1024x128xf32>, vector<128x64xf32>, vector<1024x64xf32> -> vector<1024x64xf32>
    %get3A_58 = arith.constant 0 : index
    %get3A_59 = arith.constant 0 : index
    %get3A_60 = vector.load %arg13[%get3A_58, %get3A_59] : memref<1x64xf32, #tpu.memory_space<vmem>>, vector<1x64xf32>
    %add3A_61 = vector.broadcast %get3A_60 : vector<1x64xf32> to vector<1024x64xf32>
    %add3A_62 = arith.addf %dot_general3A_57, %add3A_61 : vector<1024x64xf32>
    %max3A_63 = arith.constant 0.000000e+00 : f32
    %max3A_64 = vector.broadcast %max3A_63 : f32 to vector<1024x64xf32>
    %max3A_65 = arith.maximumf %add3A_62, %max3A_64 : vector<1024x64xf32>
    %get3A_66 = arith.constant 0 : index
    %get3A_67 = arith.constant 0 : index
    %get3A_68 = vector.load %arg14[%get3A_66, %get3A_67] : memref<64x1xf32, #tpu.memory_space<vmem>>, vector<64x1xf32>
    %dot_general3A_69 = arith.constant dense<0.000000e+00> : vector<1024x1xf32>
    %dot_general3A_70 = tpu.matmul %max3A_65, %get3A_68, %dot_general3A_69 {dimension_numbers = #tpu.dot_dimension_numbers<[1], [0], [0], [1], [0, 0, 1, 1], [], []>, precision = #tpu.contract_precision<fp32>, transpose_lhs_hint = false} : vector<1024x64xf32>, vector<64x1xf32>, vector<1024x1xf32> -> vector<1024x1xf32>
    %get3A_71 = arith.constant 0 : index
    %get3A_72 = arith.constant 0 : index
    %get3A_73 = vector.load %arg15[%get3A_71, %get3A_72] : memref<1x1xf32, #tpu.memory_space<vmem>>, vector<1x1xf32>
    %add3A_74 = vector.broadcast %get3A_73 : vector<1x1xf32> to vector<1024x1xf32>
    %add3A_75 = arith.addf %dot_general3A_70, %add3A_74 : vector<1024x1xf32>
    %logistic3A = arith.negf %add3A_75 : vector<1024x1xf32>
    %logistic3A_76 = math.exp %logistic3A : vector<1024x1xf32>
    %logistic3A_77 = arith.constant 1.000000e+00 : f32
    %logistic3A_78 = vector.broadcast %logistic3A_77 : f32 to vector<1024x1xf32>
    %logistic3A_79 = arith.addf %logistic3A_78, %logistic3A_76 : vector<1024x1xf32>
    %logistic3A_80 = arith.divf %logistic3A_78, %logistic3A_79 : vector<1024x1xf32>
    %swap3A = arith.constant 0 : index
    %swap3A_81 = arith.constant 0 : index
    %swap3A_82 = vector.load %arg16[%swap3A, %swap3A_81] : memref<1024x1xf32, #tpu.memory_space<vmem>>, vector<1024x1xf32>
    tpu.vector_store %arg16[%swap3A, %swap3A_81], %logistic3A_80 {strides = array<i32>} : memref<1024x1xf32, #tpu.memory_space<vmem>>, vector<1024x1xf32>,
    return
  }
  func.func @transform_0(%arg0: i32) -> (i32, i32) {
    %c0_i32 = arith.constant 0 : i32
    %c0_i32_0 = arith.constant 0 : i32
    return %arg0, %c0_i32 : i32, i32
  }
  func.func @transform_1(%arg0: i32) -> (i32, i32) {
    %c0_i32 = arith.constant 0 : i32
    %c0_i32_0 = arith.constant 0 : i32
    return %arg0, %c0_i32 : i32, i32
  }
  func.func @transform_2(%arg0: i32) -> (i32, i32) {
    %c0_i32 = arith.constant 0 : i32
    %c0_i32_0 = arith.constant 0 : i32
    %c0_i32_1 = arith.constant 0 : i32
    return %c0_i32, %c0_i32_0 : i32, i32
  }
  func.func @transform_3(%arg0: i32) -> (i32, i32) {
    %c0_i32 = arith.constant 0 : i32
    %c0_i32_0 = arith.constant 0 : i32
    %c0_i32_1 = arith.constant 0 : i32
    return %c0_i32, %c0_i32_0 : i32, i32
  }
  func.func @transform_4(%arg0: i32) -> (i32, i32) {
    %c0_i32 = arith.constant 0 : i32
    %c0_i32_0 = arith.constant 0 : i32
    %c0_i32_1 = arith.constant 0 : i32
    return %c0_i32, %c0_i32_0 : i32, i32
  }
  func.func @transform_5(%arg0: i32) -> (i32, i32) {
    %c0_i32 = arith.constant 0 : i32
    %c0_i32_0 = arith.constant 0 : i32
    %c0_i32_1 = arith.constant 0 : i32
    return %c0_i32, %c0_i32_0 : i32, i32
  }
  func.func @transform_6(%arg0: i32) -> (i32, i32) {
    %c0_i32 = arith.constant 0 : i32
    %c0_i32_0 = arith.constant 0 : i32
    %c0_i32_1 = arith.constant 0 : i32
    return %c0_i32, %c0_i32_0 : i32, i32
  }
  func.func @transform_7(%arg0: i32) -> (i32, i32) {
    %c0_i32 = arith.constant 0 : i32
    %c0_i32_0 = arith.constant 0 : i32
    %c0_i32_1 = arith.constant 0 : i32
    return %c0_i32, %c0_i32_0 : i32, i32
  }
  func.func @transform_8(%arg0: i32) -> (i32, i32) {
    %c0_i32 = arith.constant 0 : i32
    %c0_i32_0 = arith.constant 0 : i32
    %c0_i32_1 = arith.constant 0 : i32
    return %c0_i32, %c0_i32_0 : i32, i32
  }
  func.func @transform_9(%arg0: i32) -> (i32, i32) {
    %c0_i32 = arith.constant 0 : i32
    %c0_i32_0 = arith.constant 0 : i32
    %c0_i32_1 = arith.constant 0 : i32
    return %c0_i32, %c0_i32_0 : i32, i32
  }
  func.func @transform_10(%arg0: i32) -> (i32, i32) {
    %c0_i32 = arith.constant 0 : i32
    %c0_i32_0 = arith.constant 0 : i32
    %c0_i32_1 = arith.constant 0 : i32
    return %c0_i32, %c0_i32_0 : i32, i32
  }
  func.func @transform_11(%arg0: i32) -> (i32, i32) {
    %c0_i32 = arith.constant 0 : i32
    %c0_i32_0 = arith.constant 0 : i32
    %c0_i32_1 = arith.constant 0 : i32
    return %c0_i32, %c0_i32_0 : i32, i32
  }
  func.func @transform_12(%arg0: i32) -> (i32, i32) {
    %c0_i32 = arith.constant 0 : i32
    %c0_i32_0 = arith.constant 0 : i32
    %c0_i32_1 = arith.constant 0 : i32
    return %c0_i32, %c0_i32_0 : i32, i32
  }
  func.func @transform_13(%arg0: i32) -> (i32, i32) {
    %c0_i32 = arith.constant 0 : i32
    %c0_i32_0 = arith.constant 0 : i32
    %c0_i32_1 = arith.constant 0 : i32
    return %c0_i32, %c0_i32_0 : i32, i32
  }
  func.func @transform_14(%arg0: i32) -> (i32, i32) {
    %c0_i32 = arith.constant 0 : i32
    %c0_i32_0 = arith.constant 0 : i32
    %c0_i32_1 = arith.constant 0 : i32
    return %c0_i32, %c0_i32_0 : i32, i32
  }
  func.func @transform_15(%arg0: i32) -> (i32, i32) {
    %c0_i32 = arith.constant 0 : i32
    %c0_i32_0 = arith.constant 0 : i32
    return %arg0, %c0_i32 : i32, i32
  }
}

</mosaic_0001>

<sc_bundles>
// kernel: kernel.5.cloned.1.call-start
scs
__scs_entry_jumppad:
0x0: {  	(pc) =	sbr.rel $0x88, $3  }
0x1: {  	(tag) =	ssettag $0x0;
	lr =	simm.s32 $0x1  }
0x2: {  	[smem:$0x3F94] =	sst lr;
	_ =	strace $0xD0000000  }
0x3: {  	_ = 	snop  }
0x4: {  	_ = 	snop  }
0x5: {  	_ = 	snop  }
0x6: {  	_ = 	snop  }
0x7: {  	_ = 	snop  }
__scs_overlays_trampoline_lowered:
0x8: {  	[smem:$0x3FA3] =	sst s0  }
0x9: {  	[smem:$0x3FA4] =	sst s1  }
0xa: {  	[smem:$0x3FA5] =	sst s2  }
0xb: {  	[smem:$0x3FA6] =	sst s3  }
0xc: {  	[smem:$0x3FA7] =	sst s4  }
0xd: {  	[smem:$0x3FA8] =	sst s5  }
0xe: {  	[smem:$0x3FA9] =	sst s6  }
0xf: {  	[smem:$0x3FAA] =	sst s7  }
0x10: {  	[smem:$0x3FAB] =	sst s8  }
0x11: {  	[smem:$0x3FAC] =	sst s9;
	s0 =	simm.s32 @!p0 $0x0  }
0x12: {  	s1 =	sld [smem:$0x3F92];
	s0 =	simm.s32 @p0 $0x1  }
0x13: {  	[smem:$0x3FAD] =	sst s0;
	s0 =	simm.s32 @!p1 $0x0  }
0x14: {  	s2 =	sld [smem:$0x3F91];
	s0 =	simm.s32 @p1 $0x1  }
0x15: {  	[smem:$0x3FAE] =	sst s0;
	s0 =	simm.s32 @!p2 $0x0  }
0x16: {  	s3 =	sld [smem:$0x3FDB];
	s0 =	simm.s32 @p2 $0x1  }
0x17: {  	s4 =	simm.s32 $0x1BF5;
	[smem:$0x3FB0] =	sst s0  }
0x18: {  	s0 =	sld [smem:$0x3F93];
	_ =	swait.ge [sflag:s4], $0x0  }
0x19: {  	s7 =	sld [smem:$0x3F94]  }
0x1a: {  	s8 =	sadd.s32 $0xFFFFE003, lr  }
0x1b: {  	s9 =	sadd.s32 $0xFFFFFEF7, lr;
	s5 =	simm.s32 $0xFFFFFFFF;
	p2 =	slt.u32 s8, $0xFFFFF086  }
0x1c: {  	p1 =	slt.u32 s9, $0xF7A;
	s5 =	simm.s32 @!p2 $0x0  }
0x1d: {  	s5 =	simm.s32 @p1 $0x1;
	p0 =	seq.s32 s7, s2  }
0x1e: {  	s7 =	smul.u32 @!p0 $0xF7A, s2;
	p2 =	seq.s32 @!p0 s5, $0x0  }
0x1f: {  	s9 =	smul.u32 $0xF7A, s1;
	s8 =	simm.s32 @!p0 $0x1BF5;
	p2 =	por !p2, p0  }
0x20: {  	[sflag:s8] =	ssyncset.s32 @!p0 $0xFFFFF086;
	s6 =	sadd.s32 @!p0 s3, s7;
	s7 =	simm.s32 @!p0 $0x108  }
0x21: {  	s3 =	sadd.s32 s3, s9;
	s6 =	sadd.s32 @!p0 $0x88, s6;
	s7 =	simm.s32 @p2 $0x1082  }
0x22: {  	[simem:s7], [sflag:s8] =	dma.local @!p0 [hbm:s6], $0xF7A  }
0x23: {  	s9 =	sor.u32 $0xD0000000, s2;
	s6 =	simm.s32 $0x108;
	_ =	swait.ge @!p0 [sflag:s8], $0x0  }
0x24: {  	s3 =	sadd.s32 $0x88, s3;
	s6 =	simm.s32 @!p1 $0x1082;
	[sflag:s4] =	ssyncset.s32 $0xFFFFF086  }
0x25: {  	[simem:s6], [sflag:s4] =	dma.local [hbm:s3], $0xF7A  }
0x26: {  	[smem:$0x3F94] =	sst s1;
	(tag) =	ssettag s2;
	_ =	strace s9  }
0x27: {  	s1 =	sld [smem:$0x3FA4]  }
0x28: {  	s2 =	sld [smem:$0x3FA5]  }
0x29: {  	s4 =	sld [smem:$0x3FA7]  }
0x2a: {  	p0 =	seq.s32 s5, $0x0;
	s5 =	sld [smem:$0x3FA8]  }
0x2b: {  	s6 =	sld [smem:$0x3FA9]  }
0x2c: {  	s7 =	sld [smem:$0x3FAA]  }
0x2d: {  	s3 =	simm.s32 $0x108;
	s8 =	sld [smem:$0x3FAB]  }
0x2e: {  	s3 =	simm.s32 @!p0 $0x1082;
	s9 =	sld [smem:$0x3FAC]  }
0x2f: {  	lr =	sadd.s32 s0, s3;
	s0 =	sld [smem:$0x3FA3]  }
0x30: {  	s3 =	sld [smem:$0x3FA6]  }
0x31: {  	[smem:$0x3FAF] =	sst s10  }
0x32: {  	s10 =	sld [smem:$0x3FAD];
	_ =	sdelay $0x3  }
0x33: {  	p0 =	seq.s32 s10, $0x1;
	s10 =	sld [smem:$0x3FAF];
	_ =	sdelay $0x3  }
0x34: {  	[smem:$0x3FAF] =	sst s10  }
0x35: {  	s10 =	sld [smem:$0x3FAE];
	_ =	sdelay $0x3  }
0x36: {  	p1 =	seq.s32 s10, $0x1;
	s10 =	sld [smem:$0x3FAF];
	_ =	sdelay $0x3  }
0x37: {  	[smem:$0x3FAF] =	sst s10  }
0x38: {  	s10 =	sld [smem:$0x3FB0]  }
0x39: {  	_ = 	snop;
	(pc) =	sbr.ind lr, $3  }
0x3a: {  	_ = 	snop  }
0x3b: {  	_ = 	snop  }
0x3c: {  	p2 =	seq.s32 s10, $0x1;
	s10 =	sld [smem:$0x3FAF]  }
0x3d: {  	_ =	shalt  }
0x3e: {  	_ =	shalt  }
0x3f: {  	_ =	shalt  }
0x40: {  	_ =	shalt  }
0x41: {  	_ =	shalt  }
0x42: {  	_ =	shalt  }
0x43: {  	_ =	shalt  }
0x44: {  	_ =	shalt  }
0x45: {  	_ =	shalt  }
0x46: {  	_ =	shalt  }
0x47: {  	_ =	shalt  }
0x48: {  	_ =	shalt  }
0x49: {  	_ =	shalt  }
0x4a: {  	_ =	shalt  }
0x4b: {  	_ =	shalt  }
0x4c: {  	_ =	shalt  }
0x4d: {  	_ =	shalt  }
0x4e: {  	_ =	shalt  }
0x4f: {  	_ =	shalt  }
0x50: {  	_ =	shalt  }
0x51: {  	_ =	shalt  }
0x52: {  	_ =	shalt  }
0x53: {  	_ =	shalt  }
0x54: {  	_ =	shalt  }
0x55: {  	_ =	shalt  }
0x56: {  	_ =	shalt  }
0x57: {  	_ =	shalt  }
0x58: {  	_ =	shalt  }
0x59: {  	_ =	shalt  }
0x5a: {  	_ =	shalt  }
0x5b: {  	_ =	shalt  }
0x5c: {  	_ =	shalt  }
0x5d: {  	_ =	shalt  }
0x5e: {  	_ =	shalt  }
0x5f: {  	_ =	shalt  }
0x60: {  	_ =	shalt  }
0x61: {  	_ =	shalt  }
0x62: {  	_ =	shalt  }
0x63: {  	_ =	shalt  }
0x64: {  	_ =	shalt  }
0x65: {  	_ =	shalt  }
0x66: {  	_ =	shalt  }
0x67: {  	_ =	shalt  }
0x68: {  	_ =	shalt  }
0x69: {  	_ =	shalt  }
0x6a: {  	_ =	shalt  }
0x6b: {  	_ =	shalt  }
0x6c: {  	_ =	shalt  }
0x6d: {  	_ =	shalt  }
0x6e: {  	_ =	shalt  }
0x6f: {  	_ =	shalt  }
0x70: {  	_ =	shalt  }
0x71: {  	_ =	shalt  }
0x72: {  	_ =	shalt  }
0x73: {  	_ =	shalt  }
0x74: {  	_ =	shalt  }
0x75: {  	_ =	shalt  }
0x76: {  	_ =	shalt  }
0x77: {  	_ =	shalt  }
0x78: {  	_ =	shalt  }
0x79: {  	_ =	shalt  }
0x7a: {  	_ =	shalt  }
0x7b: {  	_ =	shalt  }
0x7c: {  	_ =	shalt  }
0x7d: {  	_ =	shalt  }
0x7e: {  	_ =	shalt  }
0x7f: {  	_ =	shalt  }
0x80: {  	_ =	shalt  }
0x81: {  	_ =	shalt  }
0x82: {  	_ =	shalt  }
0x83: {  	_ =	shalt  }
0x84: {  	_ =	shalt  }
0x85: {  	_ =	shalt  }
0x86: {  	_ =	shalt  }
0x87: {  	_ =	shalt  }
.Lfunc_end0:
.L_simem_size_0:
called_computation_lowered:
.L_overlay_start_0:
0x88: {  	s2 =	sld [smem:$0x3FD9]  }
0x89: {  	s3 =	sld [smem:$0x3FFE];
	_ =	sdelay $0x1  }
0x8a: {  	s1 =	srdreg.scid  }
0x8b: {  	s0 =	sand.u32 $0x1, s1  }
0x8c: {  	s16 =	sshll.u32 s0, $0xA;
	s2 =	sadd.s32 s3, s2  }
0x8d: {  	s2 =	sadd.s32 s2, s16  }
0x8e: {  	[smem:$0x3FBB] =	sst s2  }
0x8f: {  	_ = 	snop  }
0x90: {  	(tm) =	ssettm $0x1  }
0x91: {  	s17 =	sld [smem:$0x3FFB];
	_ =	sdelay $0x3  }
0x92: {  	_ =	strace s17  }
0x93: {  	s2 =	sld [smem:$0x3FFC];
	_ =	sdelay $0x3  }
0x94: {  	_ =	strace s2  }
0x95: {  	s2 =	sld [smem:$0x3FFD];
	_ =	sdelay $0x3  }
0x96: {  	_ =	strace s2  }
0x97: {  	_ =	strace $0x8FFFFFFF  }
0x98: {  	s18 =	sld [smem:$0x3FDB];
	_ =	sdelay $0x1  }
0x99: {  	s19 =	simm.s32 $_scs_section_size  }
0x9a: {  	s4 =	simm.s32 $_size__tile_overlayer_lowered;
	s5 =	simm.s32 $_tile_overlayer_lowered  }
0x9b: {  	s22 =	simm.s32 $0x1BFF;
	s21 =	sshll.u32 s5, $0x1;
	s2 =	sadd.s32 s19, s18  }
0x9c: {  	s6 =	simm.s32 $0x0;
	s20 =	sshll.u32 s4, $0x1;
	s4 =	sadd.s32 s21, s2  }
0x9d: {  	[timem:s6], [sflag:s22] =	dma.local [hbm:s4], s20  }
0x9e: {  	_ =	swait.ge [sflag:s22], s20  }
0x9f: {  	s3 =	ssub.s32 $0x0, s20;
	[sflag:s22] =	ssyncset.done $0x0  }
0xa0: {  	[sflag:s22] =	ssyncadd.s32 s3;
	_ =	sdelay $0x1  }
0xa1: {  	s23 =	simm.s32 $0x1B8B  }
0xa2: {  	_ =	swait.ge [sflag:s23], $0x1  }
0xa3: {  	[sflag:s23] =	ssyncset.done $0x0  }
0xa4: {  	s25 =	simm.s32 $0x1B8E;
	s24 =	sld [smem:$0x3FFE];
	[sflag:s23] =	ssyncadd.s32 $0xFFFFFFFF  }
0xa5: {  	s26 =	simm.s32 $execute0_lowered;
	[smem:$0x3FD2] =	sst s25  }
0xa6: {  	s4 =	sshll.u32 s26, $0x1;
	_ =	strace $0x80000046;
	[dreg:$0x1] =	wrdreg $0xFFFFFFFF  }
0xa7: {  	s28 =	simm.s32 $_size_execute0_lowered;
	s2 =	sadd.s32 s2, s4;
	[dreg:$0x0] =	wrdreg $0x0  }
0xa8: {  	s4 =	sshll.u32 s28, $0x1;
	[dreg:$0x2] =	wrdreg s2  }
0xa9: {  	[dreg:$0x3] =	wrdreg s4  }
0xaa: {  	[dreg:$0x4] =	wrdreg $0xC0  }
0xab: {  	_ =	task [dreg:s6], $0x5FFFF  }
0xac: {  	[dreg:$0x1] =	wrdreg $0xFFFFFFFF  }
0xad: {  	[dreg:$0x0] =	wrdreg $0x60  }
0xae: {  	[dreg:$0x2] =	wrdreg s24  }
0xaf: {  	[dreg:$0x3] =	wrdreg $0x9  }
0xb0: {  	_ =	task.clear_ibuf [dreg:s6], $0x4FFFF;
	_ =	strace $0x90000046  }
0xb1: {  	s29 =	simm.s32 $0x9;
	_ =	strace $0x80000048  }
0xb2: {  	_ =	swait.ge [sflag:s29], $0x1  }
0xb3: {  	[sflag:s29] =	ssyncadd.s32 $0xFFFFFFFF  }
0xb4: {  	_ =	strace $0x90000048  }
0xb5: {  	_ =	sfence  }
0xb6: {  	s30 =	sld [smem:$0x0];
	_ =	sdelay $0x2  }
0xb7: {  	s31 =	sshll.u32 s1, $0xD;
	s1 =	sshrl.u32 s1, $0x2  }
0xb8: {  	s3 =	sand.u32 $0x4000, s31;
	s1 =	sadd.s32 s1, s30  }
0xb9: {  	s0 =	sor.u32 s3, s0;
	s1 =	sshll.u32 s1, $0x11  }
0xba: {  	s0 =	sor.u32 s1, s0  }
0xbb: {  	s0 =	sadd.s32 $0x8F2B, s0  }
0xbc: {  	[sflag:s0] =	ssyncadd.remote.s32 $0x1  }
0xbd: {  	_ =	sfence.sel $0xFFFF  }
0xbe: {  	[dreg:$0x0] =	wrdreg $0xFFFFFFFF;
	(pc) =	sbr.abs _section_cstart, $3  }
0xbf: {  	[dreg:$0x1] =	wrdreg $0xFFFFFFFF  }
0xc0: {  	_ =	task.clear_ibuf [dreg:s6], $0x2FFFF;
	_ =	strace $0x9FFFFFFF  }
0xc1: {  	(tm) =	ssettm $0x7FFFFFFF  }
tec
execute0_lowered:
.L_overlay_start_1:
0x0: {  	(tag) =	ssettag $0x1  }
0x1: {  	s0 =	rddreg [dreg:$0x0];
	s1 =	simm.s32 $0x0;
	s2 =	stileid.u32  }
0x2: {  	[smem:$0x7FF] =	sst s1;
	s3 =	sadd.s32 $0x27AE600, s0;
	s2 =	sshll.u32 s2, $0xA  }
0x3: {  	s9 =	sadd.s32 $0x27DF340, s0;
	s10 =	sadd.s32 $0x2810080, s0  }
0x4: {  	s11 =	sadd.s32 $0x2840DC0, s0;
	s12 =	sadd.s32 $0x2871B00, s0  }
0x5: {  	s4 =	sadd.s32 $0xF200, s0;
	s14 =	sadd.s32 $0x2935000, s0;
	s15 =	sadd.s32 $0x2965D40, s0  }
0x6: {  	s16 =	sadd.s32 $0x2996A80, s0;
	s17 =	sadd.s32 $0x29C77C0, s0  }
0x7: {  	s7 =	srdreg.scid;
	s18 =	sadd.s32 $0x29F8500, s0;
	s19 =	sadd.s32 $0x2A29240, s0  }
0x8: {  	s1 =	sand.u32 $0x1, s7;
	s20 =	sadd.s32 $0x2A59F80, s0;
	s21 =	sadd.s32 $0x2A8ACC0, s0  }
0x9: {  	s22 =	sadd.s32 $0x2ABBA00, s0;
	_ =	strace $0x80000047;
	[dreg:$0x2] =	wrdreg s3  }
0xa: {  	s23 =	sadd.s32 $0x2AEC740, s0;
	s24 =	sadd.s32 $0x2B1D480, s0;
	[dreg:$0x3] =	wrdreg s4  }
0xb: {  	s25 =	sadd.s32 $0x2B4E1C0, s0;
	s26 =	sadd.s32 $0x2B7EF00, s0;
	[dreg:$0x4] =	wrdreg s9  }
0xc: {  	s28 =	sadd.s32 $0x2BAFC40, s0;
	s29 =	sadd.s32 $0x2BE0980, s0;
	[dreg:$0x5] =	wrdreg s10  }
0xd: {  	s30 =	sadd.s32 $0x2C116C0, s0;
	s31 =	sadd.s32 $0x2C42400, s0;
	[dreg:$0x6] =	wrdreg s11  }
0xe: {  	s8 =	sshll.u32 s1, $0x9;
	[dreg:$0x7] =	wrdreg s12;
	s10 =	sadd.s32 $0x28A2840, s0  }
0xf: {  	s11 =	sadd.s32 $0x28D3580, s0;
	s12 =	sadd.s32 $0x29042C0, s0;
	s1 =	ssub.s32 $0x2, s1  }
0x10: {  	s4 =	simm.s32 $0x0;
	s2 =	sor.u32 s8, s2;
	s13 =	sshrl.u32 s1, $0x1  }
0x11: {  	s9 =	smov.u32 s2;
	s2 =	sshrl.u32 s2, $0x3;
	s1 =	ssub.s32 s1, s13  }
0x12: {  	s13 =	simm.s32 $0x2;
	s2 =	sadd.s32 s2, s0;
	s1 =	smax.u32 s1, $0x1  }
0x13: {  	s0 =	sadd.s32 $0x2C73140, s0;
	s2 =	sadd.s32 $0x2200, s2;
	[dreg:$0x9] =	wrdreg s1  }
0x14: {  	s1 =	simm.s32 $0x80;
	[dreg:$0x8] =	wrdreg s2;
	s2 =	simm.s32 $0x1  }
.LBB2_1:
0x15: {  	[dreg:$0xa] =	wrdreg s4;
	s3 =	simm.s32 $0x0  }
0x16: {  	s8 =	rddreg [dreg:$0x8];
	s5 =	simm.s32 $0x200;
	s6 =	simm.s32 $0x4000  }
0x17: {  	[tilespmem:s3], [sflag:$0x2] =	stream.strided.gather [hbm4b:s8+s5], $0x3400, s6, s5, $0x38;
	[tilespmem:$0x10C00] =	vst v63  }
0x18: {  	_ =	swait.ge [sflag:s13], $0x3400  }
0x19: {  	[sflag:s13] =	ssyncset.done $0x0  }
0x1a: {  	s3 =	simm.s32 $0x0;
	[sflag:s13] =	ssyncadd.s32 $0xFFFFCC00  }
.LBB2_2:
0x1b: {  	s4 =	sshll.u32 s3, $0x7;
	s5 =	rddreg [dreg:$0x2];
	s6 =	simm.s32 $0x3400  }
0x1c: {  	[tilespmem:s6], [sflag:$0x1] =	stream.indirect.gather [hbm4b:s5+s1], $0x10, s4, s1, $0xb8;
	[tilespmem:$0x10C00] =	vst v63  }
0x1d: {  	s8 =	rddreg [dreg:$0x4];
	s7 =	simm.s32 $0x3C00;
	s6 =	sadd.s32 $0x200, s4  }
0x1e: {  	[tilespmem:s7], [sflag:$0x1] =	stream.indirect.gather [hbm4b:s8+s1], $0x10, s6, s1, $0xb8;
	[tilespmem:$0x10C00] =	vst v63  }
0x1f: {  	s6 =	sadd.s32 $0x400, s4;
	s7 =	rddreg [dreg:$0x5];
	s8 =	simm.s32 $0x4400  }
0x20: {  	[tilespmem:s8], [sflag:$0x1] =	stream.indirect.gather [hbm4b:s7+s1], $0x10, s6, s1, $0xb8;
	[tilespmem:$0x10C00] =	vst v63  }
0x21: {  	s6 =	sadd.s32 $0x600, s4;
	s7 =	rddreg [dreg:$0x6];
	s8 =	simm.s32 $0x4C00  }
0x22: {  	[tilespmem:s8], [sflag:$0x1] =	stream.indirect.gather [hbm4b:s7+s1], $0x10, s6, s1, $0xb8;
	[tilespmem:$0x10C00] =	vst v63  }
0x23: {  	s6 =	sadd.s32 $0x800, s4;
	s7 =	rddreg [dreg:$0x7];
	s8 =	simm.s32 $0x5400  }
0x24: {  	[tilespmem:s8], [sflag:$0x1] =	stream.indirect.gather [hbm4b:s7+s1], $0x10, s6, s1, $0xb8;
	[tilespmem:$0x10C00] =	vst v63  }
0x25: {  	s7 =	sadd.s32 $0xA00, s4;
	s8 =	simm.s32 $0x5C00  }
0x26: {  	[tilespmem:s8], [sflag:$0x1] =	stream.indirect.gather [hbm4b:s10+s1], $0x10, s7, s1, $0xb8;
	[tilespmem:$0x10C00] =	vst v63  }
0x27: {  	s7 =	sadd.s32 $0xC00, s4;
	s8 =	simm.s32 $0x6400  }
0x28: {  	[tilespmem:s8], [sflag:$0x1] =	stream.indirect.gather [hbm4b:s11+s1], $0x10, s7, s1, $0xb8;
	[tilespmem:$0x10C00] =	vst v63  }
0x29: {  	s7 =	sadd.s32 $0xE00, s4;
	s8 =	simm.s32 $0x6C00  }
0x2a: {  	[tilespmem:s8], [sflag:$0x1] =	stream.indirect.gather [hbm4b:s12+s1], $0x10, s7, s1, $0xb8;
	[tilespmem:$0x10C00] =	vst v63  }
0x2b: {  	s7 =	sadd.s32 $0x1000, s4;
	s8 =	simm.s32 $0x7400  }
0x2c: {  	[tilespmem:s8], [sflag:$0x1] =	stream.indirect.gather [hbm4b:s14+s1], $0x10, s7, s1, $0xb8;
	[tilespmem:$0x10C00] =	vst v63  }
0x2d: {  	s7 =	sadd.s32 $0x1200, s4;
	s8 =	simm.s32 $0x7C00  }
0x2e: {  	[tilespmem:s8], [sflag:$0x1] =	stream.indirect.gather [hbm4b:s15+s1], $0x10, s7, s1, $0xb8;
	[tilespmem:$0x10C00] =	vst v63  }
0x2f: {  	s7 =	sadd.s32 $0x1400, s4;
	s8 =	simm.s32 $0x8400  }
0x30: {  	[tilespmem:s8], [sflag:$0x1] =	stream.indirect.gather [hbm4b:s16+s1], $0x10, s7, s1, $0xb8;
	[tilespmem:$0x10C00] =	vst v63  }
0x31: {  	s7 =	sadd.s32 $0x1600, s4;
	s8 =	simm.s32 $0x8C00  }
0x32: {  	[tilespmem:s8], [sflag:$0x1] =	stream.indirect.gather [hbm4b:s17+s1], $0x10, s7, s1, $0xb8;
	[tilespmem:$0x10C00] =	vst v63  }
0x33: {  	s7 =	sadd.s32 $0x1800, s4;
	s8 =	simm.s32 $0x9400  }
0x34: {  	[tilespmem:s8], [sflag:$0x1] =	stream.indirect.gather [hbm4b:s18+s1], $0x10, s7, s1, $0xb8;
	[tilespmem:$0x10C00] =	vst v63  }
0x35: {  	s7 =	sadd.s32 $0x1A00, s4;
	s8 =	simm.s32 $0x9C00  }
0x36: {  	[tilespmem:s8], [sflag:$0x1] =	stream.indirect.gather [hbm4b:s19+s1], $0x10, s7, s1, $0xb8;
	[tilespmem:$0x10C00] =	vst v63  }
0x37: {  	s7 =	sadd.s32 $0x1C00, s4;
	s8 =	simm.s32 $0xA400  }
0x38: {  	[tilespmem:s8], [sflag:$0x1] =	stream.indirect.gather [hbm4b:s20+s1], $0x10, s7, s1, $0xb8;
	[tilespmem:$0x10C00] =	vst v63  }
0x39: {  	s7 =	sadd.s32 $0x1E00, s4;
	s8 =	simm.s32 $0xAC00  }
0x3a: {  	[tilespmem:s8], [sflag:$0x1] =	stream.indirect.gather [hbm4b:s21+s1], $0x10, s7, s1, $0xb8;
	[tilespmem:$0x10C00] =	vst v63  }
0x3b: {  	s7 =	sadd.s32 $0x2000, s4;
	s8 =	simm.s32 $0xB400  }
0x3c: {  	[tilespmem:s8], [sflag:$0x1] =	stream.indirect.gather [hbm4b:s22+s1], $0x10, s7, s1, $0xb8;
	[tilespmem:$0x10C00] =	vst v63  }
0x3d: {  	s7 =	sadd.s32 $0x2200, s4;
	s8 =	simm.s32 $0xBC00  }
0x3e: {  	[tilespmem:s8], [sflag:$0x1] =	stream.indirect.gather [hbm4b:s23+s1], $0x10, s7, s1, $0xb8;
	[tilespmem:$0x10C00] =	vst v63  }
0x3f: {  	s7 =	sadd.s32 $0x2400, s4;
	s8 =	simm.s32 $0xC400  }
0x40: {  	[tilespmem:s8], [sflag:$0x1] =	stream.indirect.gather [hbm4b:s24+s1], $0x10, s7, s1, $0xb8;
	[tilespmem:$0x10C00] =	vst v63  }
0x41: {  	s7 =	sadd.s32 $0x2600, s4;
	s8 =	simm.s32 $0xCC00  }
0x42: {  	[tilespmem:s8], [sflag:$0x1] =	stream.indirect.gather [hbm4b:s25+s1], $0x10, s7, s1, $0xb8;
	[tilespmem:$0x10C00] =	vst v63  }
0x43: {  	s7 =	sadd.s32 $0x2800, s4;
	s8 =	simm.s32 $0xD400  }
0x44: {  	[tilespmem:s8], [sflag:$0x1] =	stream.indirect.gather [hbm4b:s26+s1], $0x10, s7, s1, $0xb8;
	[tilespmem:$0x10C00] =	vst v63  }
0x45: {  	s7 =	sadd.s32 $0x2A00, s4;
	s8 =	simm.s32 $0xDC00  }
0x46: {  	[tilespmem:s8], [sflag:$0x1] =	stream.indirect.gather [hbm4b:s28+s1], $0x10, s7, s1, $0xb8;
	[tilespmem:$0x10C00] =	vst v63  }
0x47: {  	s7 =	sadd.s32 $0x2C00, s4;
	s8 =	simm.s32 $0xE400  }
0x48: {  	[tilespmem:s8], [sflag:$0x1] =	stream.indirect.gather [hbm4b:s29+s1], $0x10, s7, s1, $0xb8;
	[tilespmem:$0x10C00] =	vst v63  }
0x49: {  	s7 =	sadd.s32 $0x2E00, s4;
	s8 =	simm.s32 $0xEC00  }
0x4a: {  	[tilespmem:s8], [sflag:$0x1] =	stream.indirect.gather [hbm4b:s30+s1], $0x10, s7, s1, $0xb8;
	[tilespmem:$0x10C00] =	vst v63  }
0x4b: {  	s7 =	sadd.s32 $0x3000, s4;
	s8 =	simm.s32 $0xF400  }
0x4c: {  	[tilespmem:s8], [sflag:$0x1] =	stream.indirect.gather [hbm4b:s31+s1], $0x10, s7, s1, $0xb8;
	[tilespmem:$0x10C00] =	vst v63  }
0x4d: {  	s7 =	sadd.s32 $0x3200, s4;
	s8 =	simm.s32 $0xFC00  }
0x4e: {  	[tilespmem:s8], [sflag:$0x1] =	stream.indirect.gather [hbm4b:s0+s1], $0x10, s7, s1, $0xb8;
	[tilespmem:$0x10C00] =	vst v63  }
0x4f: {  	_ =	swait.ge [sflag:s2], $0x800  }
0x50: {  	[sflag:s2] =	ssyncset.done $0x0  }
0x51: {  	[sflag:s2] =	ssyncadd.s32 $0xFFFFF800  }
0x52: {  	_ =	swait.ge [sflag:s2], $0x800  }
0x53: {  	[sflag:s2] =	ssyncset.done $0x0  }
0x54: {  	[sflag:s2] =	ssyncadd.s32 $0xFFFFF800  }
0x55: {  	_ =	swait.ge [sflag:s2], $0x800  }
0x56: {  	[sflag:s2] =	ssyncset.done $0x0  }
0x57: {  	[sflag:s2] =	ssyncadd.s32 $0xFFFFF800  }
0x58: {  	_ =	swait.ge [sflag:s2], $0x800  }
0x59: {  	[sflag:s2] =	ssyncset.done $0x0  }
0x5a: {  	[sflag:s2] =	ssyncadd.s32 $0xFFFFF800  }
0x5b: {  	_ =	swait.ge [sflag:s2], $0x800  }
0x5c: {  	[sflag:s2] =	ssyncset.done $0x0  }
0x5d: {  	[sflag:s2] =	ssyncadd.s32 $0xFFFFF800  }
0x5e: {  	_ =	swait.ge [sflag:s2], $0x800  }
0x5f: {  	[sflag:s2] =	ssyncset.done $0x0  }
0x60: {  	[sflag:s2] =	ssyncadd.s32 $0xFFFFF800  }
0x61: {  	_ =	swait.ge [sflag:s2], $0x800  }
0x62: {  	[sflag:s2] =	ssyncset.done $0x0  }
0x63: {  	[sflag:s2] =	ssyncadd.s32 $0xFFFFF800  }
0x64: {  	_ =	swait.ge [sflag:s2], $0x800  }
0x65: {  	[sflag:s2] =	ssyncset.done $0x0  }
0x66: {  	[sflag:s2] =	ssyncadd.s32 $0xFFFFF800  }
0x67: {  	_ =	swait.ge [sflag:s2], $0x800  }
0x68: {  	[sflag:s2] =	ssyncset.done $0x0  }
0x69: {  	[sflag:s2] =	ssyncadd.s32 $0xFFFFF800  }
0x6a: {  	_ =	swait.ge [sflag:s2], $0x800  }
0x6b: {  	[sflag:s2] =	ssyncset.done $0x0  }
0x6c: {  	[sflag:s2] =	ssyncadd.s32 $0xFFFFF800  }
0x6d: {  	_ =	swait.ge [sflag:s2], $0x800  }
0x6e: {  	[sflag:s2] =	ssyncset.done $0x0  }
0x6f: {  	[sflag:s2] =	ssyncadd.s32 $0xFFFFF800  }
0x70: {  	_ =	swait.ge [sflag:s2], $0x800  }
0x71: {  	[sflag:s2] =	ssyncset.done $0x0  }
0x72: {  	[sflag:s2] =	ssyncadd.s32 $0xFFFFF800  }
0x73: {  	_ =	swait.ge [sflag:s2], $0x800  }
0x74: {  	[sflag:s2] =	ssyncset.done $0x0  }
0x75: {  	[sflag:s2] =	ssyncadd.s32 $0xFFFFF800  }
0x76: {  	_ =	swait.ge [sflag:s2], $0x800  }
0x77: {  	[sflag:s2] =	ssyncset.done $0x0  }
0x78: {  	[sflag:s2] =	ssyncadd.s32 $0xFFFFF800  }
0x79: {  	_ =	swait.ge [sflag:s2], $0x800  }
0x7a: {  	[sflag:s2] =	ssyncset.done $0x0  }
0x7b: {  	[sflag:s2] =	ssyncadd.s32 $0xFFFFF800  }
0x7c: {  	_ =	swait.ge [sflag:s2], $0x800  }
0x7d: {  	[sflag:s2] =	ssyncset.done $0x0  }
0x7e: {  	[sflag:s2] =	ssyncadd.s32 $0xFFFFF800  }
0x7f: {  	_ =	swait.ge [sflag:s2], $0x800  }
0x80: {  	[sflag:s2] =	ssyncset.done $0x0  }
0x81: {  	[sflag:s2] =	ssyncadd.s32 $0xFFFFF800  }
0x82: {  	_ =	swait.ge [sflag:s2], $0x800  }
0x83: {  	[sflag:s2] =	ssyncset.done $0x0  }
0x84: {  	[sflag:s2] =	ssyncadd.s32 $0xFFFFF800  }
0x85: {  	_ =	swait.ge [sflag:s2], $0x800  }
0x86: {  	[sflag:s2] =	ssyncset.done $0x0  }
0x87: {  	[sflag:s2] =	ssyncadd.s32 $0xFFFFF800  }
0x88: {  	_ =	swait.ge [sflag:s2], $0x800  }
0x89: {  	[sflag:s2] =	ssyncset.done $0x0  }
0x8a: {  	[sflag:s2] =	ssyncadd.s32 $0xFFFFF800  }
0x8b: {  	_ =	swait.ge [sflag:s2], $0x800  }
0x8c: {  	[sflag:s2] =	ssyncset.done $0x0  }
0x8d: {  	[sflag:s2] =	ssyncadd.s32 $0xFFFFF800  }
0x8e: {  	_ =	swait.ge [sflag:s2], $0x800  }
0x8f: {  	[sflag:s2] =	ssyncset.done $0x0  }
0x90: {  	[sflag:s2] =	ssyncadd.s32 $0xFFFFF800  }
0x91: {  	_ =	swait.ge [sflag:s2], $0x800  }
0x92: {  	[sflag:s2] =	ssyncset.done $0x0  }
0x93: {  	[sflag:s2] =	ssyncadd.s32 $0xFFFFF800  }
0x94: {  	_ =	swait.ge [sflag:s2], $0x800  }
0x95: {  	[sflag:s2] =	ssyncset.done $0x0  }
0x96: {  	[sflag:s2] =	ssyncadd.s32 $0xFFFFF800  }
0x97: {  	_ =	swait.ge [sflag:s2], $0x800  }
0x98: {  	[sflag:s2] =	ssyncset.done $0x0  }
0x99: {  	[sflag:s2] =	ssyncadd.s32 $0xFFFFF800  }
0x9a: {  	_ =	swait.ge [sflag:s2], $0x800  }
0x9b: {  	[sflag:s2] =	ssyncset.done $0x0  }
0x9c: {  	s6 =	simm.s32 $0x0;
	[sflag:s2] =	ssyncadd.s32 $0xFFFFF800  }
0x9d: {  	v0 =	vld [tilespmem:s6+$0x3400]  }
0x9e: {  	v1 =	vld [tilespmem:s6+$0x3C00];
	_ =	sdelay $0x1  }
0x9f: {  	v2 =	vld [tilespmem:s6+$0x4400];
	_ =	sdelay $0x1  }
0xa0: {  	v3 =	vld [tilespmem:s6+$0x4C00]  }
0xa1: {  	v4 =	vmul.f32 v0, v0;
	v0 =	vadd.f32 v1, v0;
	v1 =	vmul.f32 v1, v1  }
0xa2: {  	v5 =	vld [tilespmem:s6+$0x5400]  }
0xa3: {  	v1 =	vadd.f32 v1, v4;
	v0 =	vadd.f32 v2, v0;
	v2 =	vmul.f32 v2, v2  }
0xa4: {  	v4 =	vld [tilespmem:s6+$0x5C00]  }
0xa5: {  	v1 =	vadd.f32 v2, v1;
	v0 =	vadd.f32 v3, v0;
	v2 =	vmul.f32 v3, v3  }
0xa6: {  	v3 =	vld [tilespmem:s6+$0x6400]  }
0xa7: {  	v1 =	vadd.f32 v2, v1;
	v0 =	vadd.f32 v5, v0;
	v2 =	vmul.f32 v5, v5  }
0xa8: {  	v5 =	vld [tilespmem:s6+$0x6C00]  }
0xa9: {  	v1 =	vadd.f32 v2, v1;
	v0 =	vadd.f32 v4, v0;
	v2 =	vmul.f32 v4, v4  }
0xaa: {  	v4 =	vld [tilespmem:s6+$0x7400]  }
0xab: {  	v1 =	vadd.f32 v2, v1;
	v0 =	vadd.f32 v3, v0;
	v2 =	vmul.f32 v3, v3  }
0xac: {  	v3 =	vld [tilespmem:s6+$0x7C00]  }
0xad: {  	v1 =	vadd.f32 v2, v1;
	v0 =	vadd.f32 v5, v0;
	v2 =	vmul.f32 v5, v5  }
0xae: {  	v5 =	vld [tilespmem:s6+$0x8400]  }
0xaf: {  	v1 =	vadd.f32 v2, v1;
	v0 =	vadd.f32 v4, v0;
	v2 =	vmul.f32 v4, v4  }
0xb0: {  	v4 =	vld [tilespmem:s6+$0x8C00]  }
0xb1: {  	v1 =	vadd.f32 v2, v1;
	v0 =	vadd.f32 v3, v0;
	v2 =	vmul.f32 v3, v3  }
0xb2: {  	v3 =	vld [tilespmem:s6+$0x9400]  }
0xb3: {  	v1 =	vadd.f32 v2, v1;
	v0 =	vadd.f32 v5, v0;
	v2 =	vmul.f32 v5, v5  }
0xb4: {  	s5 =	simm.s32 $0x10;
	v5 =	vld [tilespmem:s6+$0x9C00]  }
0xb5: {  	v6 =	vld [tilespmem:s5+$0x3400];
	v1 =	vadd.f32 v2, v1;
	v0 =	vadd.f32 v4, v0;
	v2 =	vmul.f32 v4, v4  }
0xb6: {  	v4 =	vld [tilespmem:s6+$0xA400]  }
0xb7: {  	v7 =	vld [tilespmem:s5+$0x3C00];
	v1 =	vadd.f32 v2, v1;
	v0 =	vadd.f32 v3, v0;
	v2 =	vmul.f32 v3, v3  }
0xb8: {  	v3 =	vld [tilespmem:s6+$0xAC00]  }
0xb9: {  	v8 =	vld [tilespmem:s5+$0x4400];
	v1 =	vadd.f32 v2, v1;
	v0 =	vadd.f32 v5, v0;
	v2 =	vmul.f32 v5, v5  }
0xba: {  	v5 =	vld [tilespmem:s6+$0xB400]  }
0xbb: {  	v10 =	vld [tilespmem:s5+$0x4C00];
	v9 =	vmul.f32 v4, v4;
	v1 =	vadd.f32 v2, v1;
	v0 =	vadd.f32 v4, v0  }
0xbc: {  	v2 =	vmul.f32 v6, v6;
	v4 =	vadd.f32 v7, v6;
	v6 =	vmul.f32 v7, v7;
	v7 =	vld [tilespmem:s6+$0xBC00]  }
0xbd: {  	v11 =	vld [tilespmem:s5+$0x5400];
	v1 =	vadd.f32 v9, v1;
	v0 =	vadd.f32 v3, v0;
	v3 =	vmul.f32 v3, v3  }
0xbe: {  	v2 =	vadd.f32 v6, v2;
	v4 =	vadd.f32 v8, v4;
	v6 =	vmul.f32 v8, v8;
	v8 =	vld [tilespmem:s6+$0xC400]  }
0xbf: {  	v9 =	vld [tilespmem:s5+$0x5C00];
	v1 =	vadd.f32 v3, v1;
	v0 =	vadd.f32 v5, v0;
	v3 =	vmul.f32 v5, v5  }
0xc0: {  	v2 =	vadd.f32 v6, v2;
	v4 =	vadd.f32 v10, v4;
	v5 =	vmul.f32 v10, v10;
	v6 =	vld [tilespmem:s6+$0xCC00]  }
0xc1: {  	v10 =	vld [tilespmem:s5+$0x6400];
	v1 =	vadd.f32 v3, v1;
	v0 =	vadd.f32 v7, v0;
	v3 =	vmul.f32 v7, v7  }
0xc2: {  	v2 =	vadd.f32 v5, v2;
	v4 =	vadd.f32 v11, v4;
	v5 =	vmul.f32 v11, v11;
	v7 =	vld [tilespmem:s6+$0xD400]  }
0xc3: {  	v11 =	vld [tilespmem:s5+$0x6C00];
	v1 =	vadd.f32 v3, v1;
	v0 =	vadd.f32 v8, v0;
	v3 =	vmul.f32 v8, v8  }
0xc4: {  	v2 =	vadd.f32 v5, v2;
	v4 =	vadd.f32 v9, v4;
	v5 =	vmul.f32 v9, v9;
	v8 =	vld [tilespmem:s6+$0xDC00]  }
0xc5: {  	v9 =	vld [tilespmem:s5+$0x7400];
	v1 =	vadd.f32 v3, v1;
	v0 =	vadd.f32 v6, v0;
	v3 =	vmul.f32 v6, v6  }
0xc6: {  	v2 =	vadd.f32 v5, v2;
	v4 =	vadd.f32 v10, v4;
	v5 =	vmul.f32 v10, v10;
	v6 =	vld [tilespmem:s6+$0xE400]  }
0xc7: {  	v10 =	vld [tilespmem:s5+$0x7C00];
	v1 =	vadd.f32 v3, v1;
	v0 =	vadd.f32 v7, v0;
	v3 =	vmul.f32 v7, v7  }
0xc8: {  	v2 =	vadd.f32 v5, v2;
	v4 =	vadd.f32 v11, v4;
	v5 =	vmul.f32 v11, v11;
	v7 =	vld [tilespmem:s6+$0xEC00]  }
0xc9: {  	v11 =	vld [tilespmem:s5+$0x8400];
	v1 =	vadd.f32 v3, v1;
	v0 =	vadd.f32 v8, v0;
	v3 =	vmul.f32 v8, v8  }
0xca: {  	v2 =	vadd.f32 v5, v2;
	v4 =	vadd.f32 v9, v4;
	v5 =	vmul.f32 v9, v9;
	v8 =	vld [tilespmem:s6+$0xF400]  }
0xcb: {  	v9 =	vld [tilespmem:s5+$0x8C00];
	v1 =	vadd.f32 v3, v1;
	v0 =	vadd.f32 v6, v0;
	v3 =	vmul.f32 v6, v6  }
0xcc: {  	v2 =	vadd.f32 v5, v2;
	v4 =	vadd.f32 v10, v4;
	v5 =	vmul.f32 v10, v10;
	v10 =	vld [tilespmem:s6+$0xFC00]  }
0xcd: {  	v1 =	vadd.f32 v3, v1;
	v6 =	vadd.f32 v7, v0;
	v7 =	vmul.f32 v7, v7;
	v3 =	vld [tilespmem:s5+$0x9400]  }
0xce: {  	v2 =	vadd.f32 v5, v2;
	v5 =	vadd.f32 v11, v4;
	v4 =	vmul.f32 v11, v11  }
0xcf: {  	v0 =	vld [tilespmem:s5+$0x9C00];
	v7 =	vadd.f32 v7, v1;
	v11 =	vadd.f32 v8, v6;
	v8 =	vmul.f32 v8, v8  }
0xd0: {  	s7 =	simm.s32 $0x20;
	v4 =	vadd.f32 v4, v2;
	v5 =	vadd.f32 v9, v5;
	v6 =	vmul.f32 v9, v9;
	v2 =	vld [tilespmem:s5+$0xA400]  }
0xd1: {  	s8 =	simm.s32 $0xC0;
	v1 =	vld [tilespmem:s7+$0x3400];
	v9 =	vmul.f32 v10, v10;
	v7 =	vadd.f32 v8, v7;
	v8 =	vadd.f32 v10, v11  }
.LBB2_3:
0xd2: {  	p0 =	sne.s32 s8, $0x1FC0;
	v10 =	vld [tilespmem:s7+$0x3C00];
	v4 =	vadd.f32 v6, v4;
	v5 =	vadd.f32 v3, v5;
	v3 =	vmul.f32 v3, v3  }
0xd3: {  	v6 =	vld [tilespmem:s5+$0xAC00];
	v7 =	vadd.f32 v9, v7;
	v8 =	vmul.f32 v8, v8  }
0xd4: {  	v9 =	vld [tilespmem:s7+$0x4400];
	v3 =	vadd.f32 v3, v4;
	v4 =	vadd.f32 v0, v5;
	v0 =	vmul.f32 v0, v0  }
0xd5: {  	v5 =	vmul.f32 v2, v2;
	v11 =	vld [tilespmem:s5+$0xB400];
	v7 =	vsub.f32 v8, v7  }
0xd6: {  	v8 =	vmul.f32 v1, v1;
	v12 =	vld [tilespmem:s7+$0x4C00];
	v0 =	vadd.f32 v0, v3;
	v2 =	vadd.f32 v2, v4  }
0xd7: {  	v1 =	vadd.f32 v10, v1;
	v3 =	vmul.f32 v10, v10;
	v4 =	vld [tilespmem:s5+$0xBC00];
	v7 =	vmul.f32 $5.000000000e-01, v7  }
0xd8: {  	v10 =	vld [tilespmem:s7+$0x5400];
	v0 =	vadd.f32 v5, v0;
	v2 =	vadd.f32 v6, v2;
	v5 =	vmul.f32 v6, v6  }
0xd9: {  	v3 =	vadd.f32 v3, v8;
	v1 =	vadd.f32 v9, v1;
	v6 =	vmul.f32 v9, v9;
	v8 =	vld [tilespmem:s5+$0xC400];
	[tilespmem:s6+$0x10400] =	vst v7;
	s6 =	smov.u32 s5;
	s5 =	smov.u32 s7  }
0xda: {  	v7 =	vld [tilespmem:s5+$0x5C00];
	v0 =	vadd.f32 v5, v0;
	v2 =	vadd.f32 v11, v2;
	v5 =	vmul.f32 v11, v11  }
0xdb: {  	v3 =	vadd.f32 v6, v3;
	v1 =	vadd.f32 v12, v1;
	v6 =	vmul.f32 v12, v12;
	v9 =	vld [tilespmem:s6+$0xCC00]  }
0xdc: {  	v11 =	vld [tilespmem:s5+$0x6400];
	v0 =	vadd.f32 v5, v0;
	v2 =	vadd.f32 v4, v2;
	v4 =	vmul.f32 v4, v4  }
0xdd: {  	v3 =	vadd.f32 v6, v3;
	v1 =	vadd.f32 v10, v1;
	v5 =	vmul.f32 v10, v10;
	v6 =	vld [tilespmem:s6+$0xD400]  }
0xde: {  	v10 =	vld [tilespmem:s5+$0x6C00];
	v0 =	vadd.f32 v4, v0;
	v2 =	vadd.f32 v8, v2;
	v4 =	vmul.f32 v8, v8  }
0xdf: {  	v3 =	vadd.f32 v5, v3;
	v1 =	vadd.f32 v7, v1;
	v5 =	vmul.f32 v7, v7;
	v7 =	vld [tilespmem:s6+$0xDC00]  }
0xe0: {  	v8 =	vld [tilespmem:s5+$0x7400];
	v0 =	vadd.f32 v4, v0;
	v2 =	vadd.f32 v9, v2;
	v4 =	vmul.f32 v9, v9  }
0xe1: {  	v3 =	vadd.f32 v5, v3;
	v1 =	vadd.f32 v11, v1;
	v5 =	vmul.f32 v11, v11;
	v9 =	vld [tilespmem:s6+$0xE400]  }
0xe2: {  	v11 =	vld [tilespmem:s5+$0x7C00];
	v0 =	vadd.f32 v4, v0;
	v2 =	vadd.f32 v6, v2;
	v4 =	vmul.f32 v6, v6  }
0xe3: {  	v3 =	vadd.f32 v5, v3;
	v1 =	vadd.f32 v10, v1;
	v5 =	vmul.f32 v10, v10;
	v6 =	vld [tilespmem:s6+$0xEC00]  }
0xe4: {  	v10 =	vld [tilespmem:s5+$0x8400];
	v0 =	vadd.f32 v4, v0;
	v2 =	vadd.f32 v7, v2;
	v4 =	vmul.f32 v7, v7  }
0xe5: {  	v3 =	vadd.f32 v5, v3;
	v1 =	vadd.f32 v8, v1;
	v5 =	vmul.f32 v8, v8;
	v7 =	vld [tilespmem:s6+$0xF400]  }
0xe6: {  	v8 =	vld [tilespmem:s5+$0x8C00];
	v0 =	vadd.f32 v4, v0;
	v2 =	vadd.f32 v9, v2;
	v4 =	vmul.f32 v9, v9  }
0xe7: {  	v5 =	vadd.f32 v5, v3;
	v1 =	vadd.f32 v11, v1;
	v9 =	vmul.f32 v11, v11;
	v11 =	vld [tilespmem:s6+$0xFC00]  }
.Ltmp0:
0xe8: {  	v3 =	vld [tilespmem:s5+$0x9400];
	v4 =	vadd.f32 v4, v0;
	v2 =	vadd.f32 v6, v2;
	v6 =	vmul.f32 v6, v6;
	(pc) =	sbr.rel @p0 .LBB2_3-.Ltmp0, $4  }
0xe9: {  	v5 =	vadd.f32 v9, v5;
	v1 =	vadd.f32 v10, v1;
	v9 =	vmul.f32 v10, v10  }
0xea: {  	v0 =	vld [tilespmem:s5+$0x9C00];
	v10 =	vadd.f32 v6, v4;
	v12 =	vadd.f32 v7, v2;
	v7 =	vmul.f32 v7, v7  }
0xeb: {  	s7 =	sshra.s32 s8, $0x2;
	v4 =	vadd.f32 v9, v5;
	v5 =	vadd.f32 v8, v1;
	v6 =	vmul.f32 v8, v8;
	v2 =	vld [tilespmem:s5+$0xA400]  }
0xec: {  	s8 =	sadd.s32 $0x40, s8;
	v1 =	vld [tilespmem:s7+$0x3400];
	v7 =	vadd.f32 v7, v10;
	v8 =	vadd.f32 v11, v12;
	v9 =	vmul.f32 v11, v11  }
0xed: {  	v10 =	vld [tilespmem:s7+$0x3C00];
	v4 =	vadd.f32 v6, v4;
	v5 =	vadd.f32 v3, v5;
	v43 =	vmul.f32 v3, v3  }
0xee: {  	v44 =	vld [tilespmem:s5+$0xAC00];
	v7 =	vadd.f32 v9, v7;
	v8 =	vmul.f32 v8, v8  }
0xef: {  	v45 =	vld [tilespmem:s7+$0x4400];
	v3 =	vadd.f32 v43, v4;
	v46 =	vadd.f32 v0, v5;
	v47 =	vmul.f32 v0, v0  }
0xf0: {  	v48 =	vld [tilespmem:s5+$0xB400];
	v11 =	vmul.f32 v2, v2;
	v7 =	vsub.f32 v8, v7  }
0xf1: {  	v49 =	vld [tilespmem:s7+$0x4C00];
	v12 =	vmul.f32 v1, v1;
	v0 =	vadd.f32 v47, v3;
	v50 =	vadd.f32 v2, v46  }
0xf2: {  	v51 =	vld [tilespmem:s5+$0xBC00];
	v52 =	vadd.f32 v10, v1;
	v53 =	vmul.f32 v10, v10;
	v7 =	vmul.f32 $5.000000000e-01, v7  }
0xf3: {  	v54 =	vld [tilespmem:s7+$0x5400];
	v6 =	vmul.f32 v44, v44;
	v0 =	vadd.f32 v11, v0;
	v2 =	vadd.f32 v44, v50  }
0xf4: {  	v55 =	vld [tilespmem:s5+$0xC400];
	v9 =	vmul.f32 v45, v45;
	v4 =	vadd.f32 v53, v12;
	v1 =	vadd.f32 v45, v52;
	[tilespmem:s6+$0x10400] =	vst v7  }
0xf5: {  	v5 =	vmul.f32 v48, v48;
	v7 =	vld [tilespmem:s7+$0x5C00];
	v0 =	vadd.f32 v6, v0;
	v2 =	vadd.f32 v48, v2  }
0xf6: {  	v56 =	vmul.f32 v49, v49;
	v57 =	vld [tilespmem:s5+$0xCC00];
	v4 =	vadd.f32 v9, v4;
	v1 =	vadd.f32 v49, v1  }
0xf7: {  	v3 =	vmul.f32 v51, v51;
	v58 =	vld [tilespmem:s7+$0x6400];
	v0 =	vadd.f32 v5, v0;
	v2 =	vadd.f32 v51, v2  }
0xf8: {  	v59 =	vmul.f32 v54, v54;
	v60 =	vld [tilespmem:s5+$0xD400];
	v4 =	vadd.f32 v56, v4;
	v1 =	vadd.f32 v54, v1  }
0xf9: {  	v62 =	vmul.f32 v55, v55;
	v61 =	vld [tilespmem:s7+$0x6C00];
	v0 =	vadd.f32 v3, v0;
	v2 =	vadd.f32 v55, v2  }
0xfa: {  	v12 =	vld [tilespmem:s5+$0xDC00];
	v4 =	vadd.f32 v59, v4;
	v1 =	vadd.f32 v7, v1;
	v63 =	vmul.f32 v7, v7  }
0xfb: {  	v13 =	vld [tilespmem:s7+$0x7400];
	v14 =	vmul.f32 v57, v57;
	v0 =	vadd.f32 v62, v0;
	v2 =	vadd.f32 v57, v2  }
0xfc: {  	v16 =	vld [tilespmem:s5+$0xE400];
	v15 =	vmul.f32 v58, v58;
	v4 =	vadd.f32 v63, v4;
	v1 =	vadd.f32 v58, v1  }
0xfd: {  	v17 =	vld [tilespmem:s7+$0x7C00];
	v18 =	vmul.f32 v60, v60;
	v0 =	vadd.f32 v14, v0;
	v2 =	vadd.f32 v60, v2  }
0xfe: {  	v20 =	vld [tilespmem:s5+$0xEC00];
	v19 =	vmul.f32 v61, v61;
	v4 =	vadd.f32 v15, v4;
	v1 =	vadd.f32 v61, v1  }
0xff: {  	v21 =	vld [tilespmem:s7+$0x8400];
	v22 =	vmul.f32 v12, v12;
	v0 =	vadd.f32 v18, v0;
	v2 =	vadd.f32 v12, v2  }
0x100: {  	v24 =	vld [tilespmem:s5+$0xF400];
	v23 =	vmul.f32 v13, v13;
	v4 =	vadd.f32 v19, v4;
	v1 =	vadd.f32 v13, v1  }
0x101: {  	v25 =	vld [tilespmem:s7+$0x8C00];
	v26 =	vmul.f32 v16, v16;
	v0 =	vadd.f32 v22, v0;
	v2 =	vadd.f32 v16, v2  }
0x102: {  	v28 =	vld [tilespmem:s5+$0xFC00];
	v27 =	vmul.f32 v17, v17;
	v4 =	vadd.f32 v23, v4;
	v1 =	vadd.f32 v17, v1  }
0x103: {  	v29 =	vld [tilespmem:s7+$0x9400];
	v30 =	vmul.f32 v20, v20;
	v0 =	vadd.f32 v26, v0;
	v2 =	vadd.f32 v20, v2  }
0x104: {  	v31 =	vmul.f32 v21, v21;
	v4 =	vadd.f32 v27, v4;
	v1 =	vadd.f32 v21, v1  }
0x105: {  	v32 =	vld [tilespmem:s7+$0x9C00];
	v33 =	vmul.f32 v24, v24;
	v0 =	vadd.f32 v30, v0;
	v2 =	vadd.f32 v24, v2  }
0x106: {  	v34 =	vmul.f32 v25, v25;
	v4 =	vadd.f32 v31, v4;
	v1 =	vadd.f32 v25, v1  }
0x107: {  	v35 =	vld [tilespmem:s7+$0xA400];
	v36 =	vmul.f32 v28, v28;
	v0 =	vadd.f32 v33, v0;
	v2 =	vadd.f32 v28, v2  }
0x108: {  	v38 =	vld [tilespmem:s7+$0xAC00];
	v37 =	vmul.f32 v29, v29;
	v4 =	vadd.f32 v34, v4;
	v1 =	vadd.f32 v29, v1  }
0x109: {  	v0 =	vadd.f32 v36, v0;
	v2 =	vmul.f32 v2, v2  }
0x10a: {  	v40 =	vmul.f32 v32, v32;
	v39 =	vadd.f32 v37, v4;
	v1 =	vadd.f32 v32, v1  }
0x10b: {  	v41 =	vld [tilespmem:s7+$0xB400];
	v0 =	vsub.f32 v2, v0  }
0x10c: {  	v42 =	vmul.f32 v35, v35;
	v3 =	vadd.f32 v40, v39;
	v1 =	vadd.f32 v35, v1  }
0x10d: {  	v43 =	vld [tilespmem:s7+$0xBC00];
	v44 =	vmul.f32 v38, v38  }
0x10e: {  	v0 =	vmul.f32 $5.000000000e-01, v0;
	v2 =	vadd.f32 v42, v3;
	v1 =	vadd.f32 v38, v1  }
0x10f: {  	v45 =	vld [tilespmem:s7+$0xC400]  }
0x110: {  	v47 =	vmul.f32 v41, v41;
	[tilespmem:s5+$0x10400] =	vst v0;
	v46 =	vadd.f32 v44, v2;
	v1 =	vadd.f32 v41, v1  }
0x111: {  	v48 =	vld [tilespmem:s7+$0xCC00]  }
0x112: {  	v49 =	vmul.f32 v43, v43;
	v0 =	vadd.f32 v47, v46;
	v1 =	vadd.f32 v43, v1  }
0x113: {  	v50 =	vld [tilespmem:s7+$0xD400]  }
0x114: {  	v51 =	vmul.f32 v45, v45;
	v0 =	vadd.f32 v49, v0;
	v1 =	vadd.f32 v45, v1  }
0x115: {  	v52 =	vld [tilespmem:s7+$0xDC00]  }
0x116: {  	v53 =	vmul.f32 v48, v48;
	v0 =	vadd.f32 v51, v0;
	v1 =	vadd.f32 v48, v1  }
0x117: {  	v54 =	vld [tilespmem:s7+$0xE400]  }
0x118: {  	v55 =	vmul.f32 v50, v50;
	v0 =	vadd.f32 v53, v0;
	v1 =	vadd.f32 v50, v1  }
0x119: {  	v56 =	vld [tilespmem:s7+$0xEC00]  }
0x11a: {  	v57 =	vmul.f32 v52, v52;
	v0 =	vadd.f32 v55, v0;
	v1 =	vadd.f32 v52, v1  }
0x11b: {  	v58 =	vld [tilespmem:s7+$0xF400]  }
0x11c: {  	v59 =	vmul.f32 v54, v54;
	v0 =	vadd.f32 v57, v0;
	v1 =	vadd.f32 v54, v1  }
0x11d: {  	v60 =	vld [tilespmem:s7+$0xFC00]  }
0x11e: {  	v61 =	vmul.f32 v56, v56;
	v0 =	vadd.f32 v59, v0;
	v1 =	vadd.f32 v56, v1;
	_ =	sdelay $0x1  }
0x11f: {  	v62 =	vmul.f32 v58, v58;
	v0 =	vadd.f32 v61, v0;
	v1 =	vadd.f32 v58, v1;
	_ =	sdelay $0x1  }
0x120: {  	v63 =	vmul.f32 v60, v60;
	v0 =	vadd.f32 v62, v0;
	v1 =	vadd.f32 v60, v1;
	_ =	sdelay $0x1  }
0x121: {  	v0 =	vadd.f32 v63, v0;
	v1 =	vmul.f32 v1, v1;
	_ =	sdelay $0x1  }
0x122: {  	v0 =	vsub.f32 v1, v0;
	_ =	sdelay $0x1  }
0x123: {  	s4 =	sadd.s32 s9, s4;
	s8 =	simm.s32 $0x10400;
	s3 =	sadd.s32 $0x1, s3;
	v0 =	vmul.f32 $5.000000000e-01, v0  }
0x124: {  	s4 =	sshll.u32 s4, $0x1;
	p0 =	sne.s32 s3, $0x4;
	s6 =	rddreg [dreg:$0x3]  }
.Ltmp1:
0x125: {  	s4 =	sadd.s32 s6, s4;
	[tilespmem:s7+$0x10400] =	vst v0;
	s7 =	simm.s32 $0x0;
	(pc) =	sbr.rel @p0 .LBB2_2-.Ltmp1, $4  }
0x126: {  	[hbm4b:s4+s7] =	stream.linear.scatter [tilespmem:s8], [sflag:$0x2], $0x800, $0x38;
	[tilespmem:$0x10C00] =	vst v63  }
0x127: {  	_ =	swait.ge [sflag:s13], $0x800  }
0x128: {  	[sflag:s13] =	ssyncset.done $0x0  }
0x129: {  	[sflag:s13] =	ssyncadd.s32 $0xFFFFF800  }
0x12a: {  	s4 =	rddreg [dreg:$0xa]  }
0x12b: {  	s3 =	rddreg [dreg:$0x9];
	s4 =	sadd.s32 $0x1, s4  }
0x12c: {  	p0 =	sne.s32 s4, s3  }
.Ltmp2:
0x12d: {  	_ = 	snop;
	(pc) =	sbr.rel @p0 .LBB2_1-.Ltmp2, $1  }
0x12e: {  	_ =	sdelay $0x3  }
0x12f: {  	_ =	sfence.sel $0x180000  }
0x130: {  	[bflag:$0x0] =	sbarrier.arrive $0xFFFF  }
0x131: {  	_ =	strace $0x90000047  }
0x132: {  	s0 =	stileid.u32;
	[bflag:$0x2] =	sbarrier.arrive $0xFFFF  }
0x133: {  	p0 =	sne.s32 s0, $0x0;
	s0 =	rddreg [dreg:$0x1]  }
0x134: {  	s0 =	sadd.s32 @!p0 $0x100000, s0  }
0x135: {  	[sflag:s0] =	ssyncadd.tile.s32 @!p0 $0x1;
	_ =	shalt  }
.Lfunc_end2:
_tile_overlayer_lowered:
.L_overlay_start_2:
0x136: {  	(tag) =	ssettag $0x2  }
0x137: {  	s0 =	rddreg [dreg:$0x0];
	s2 =	stileid.u32  }
0x138: {  	s1 =	rddreg [dreg:$0x1];
	p0 =	sne.s32 s2, $0x0  }
0x139: {  	s3 =	rddreg [dreg:$0x2];
	[bflag:$0x3] =	sbarrier.arrive $0xFFFF;
	s2 =	simm.s32 @!p0 $0x1C02  }
0x13a: {  	[timem:s3], [sflag:s2] =	dma.local @!p0 [hbm:s0], s1  }
0x13b: {  	s0 =	simm.s32 @!p0 $0x2  }
0x13c: {  	_ =	swait.ge @!p0 [sflag:s0], s1  }
0x13d: {  	s1 =	ssub.s32 @!p0 $0x0, s1;
	[sflag:s0] =	ssyncset.done @!p0 $0x0  }
0x13e: {  	[sflag:s0] =	ssyncadd.s32 @!p0 s1  }
0x13f: {  	[bflag:$0x3] =	sbarrier.arrive $0xFFFF  }
0x140: {  	_ =	shalt  }

</sc_bundles>
